<compile_context>
chip_gen: v7x
topology: tpu7x:2x2x1
jax: 0.10.2.dev20260603
libtpu: 0.0.44.dev20260713+nightly
codegen_flags: <defaults>
</compile_context>

<pallas_src>
import functools

import jax
import jax.numpy as jnp
from jax import lax
from jax.experimental import pallas as pl
from jax.experimental.pallas import tpu as pltpu
from jax.experimental.pallas import tpu_sc as plsc

_B = 64
_V = 100000
_L = 16
_NC = 2
_NS = 16
_NW = _NC * _NS
_ROWS_PER_W = _B // _NW

_CHUNK_VECS = 50
_CHUNK = _CHUNK_VECS * _L
_NCHUNKS = _V // _CHUNK
_NSEG = 16
_SEG_CH = 8
_W_FIRST = 9600
_W_MID = 6400
_W_LAST = 896

_BIG = 2147483647
_LN2 = 0.6931471805599453
_SQRT2 = 1.4142135623730951


def _vlog(s):
    xi = plsc.bitcast(s, jnp.int32)
    e = (xi >> 23) - 127
    m = plsc.bitcast(
        (xi & jnp.int32(0x007FFFFF)) | jnp.int32(0x3F800000), jnp.float32)
    big = m > _SQRT2
    m = jnp.where(big, m * 0.5, m)
    e = e + jnp.where(big, jnp.int32(1), jnp.int32(0))
    t = (m - 1.0) / (m + 1.0)
    t2 = t * t
    p = 2.0 * t * (1.0 + t2 * (1.0 / 3.0 + t2 * (0.2 + t2 * (1.0 / 7.0 + t2 * (1.0 / 9.0)))))
    return e.astype(jnp.float32) * _LN2 + p


def _sc_body(logits_hbm, actions_hbm, out_hbm,
             row_v, act_v, cmax_v, stash_v, out_s, sem0, sem_a):
    wid = lax.axis_index("s") * _NC + lax.axis_index("c")
    lane = lax.iota(jnp.int32, _L)
    neg_inf = jnp.full((_L,), -jnp.inf, jnp.float32)
    big_v = jnp.full((_L,), _BIG, jnp.int32)

    act_cp = pltpu.make_async_copy(actions_hbm, act_v, sem_a)
    act_cp.start()

    def start_row_stream(r):
        pltpu.make_async_copy(logits_hbm.at[r], row_v, sem0).start()

    def wait_words(n):
        pltpu.make_async_copy(
            logits_hbm.at[0, pl.ds(0, n)], row_v.at[pl.ds(0, n)], sem0).wait()

    def chunk_body(c, carry):
        sums = list(carry[0])
        gacc = carry[1]
        base = c * _CHUNK
        cmaxes = [neg_inf] * 4
        for k in range(_CHUNK_VECS):
            x = row_v[pl.ds(base + k * _L, _L)]
            j = k % 4
            cmaxes[j] = jnp.maximum(cmaxes[j], x)
            sums[j] = sums[j] + jnp.exp(x)
        cmax = jnp.maximum(jnp.maximum(cmaxes[0], cmaxes[1]),
                           jnp.maximum(cmaxes[2], cmaxes[3]))
        cmax_v[pl.ds(c * _L, _L)] = cmax
        return (tuple(sums), jnp.maximum(gacc, cmax))

    def seg_body(s, carry):
        @pl.when(s == 0)
        def _():
            wait_words(_W_FIRST)

        @pl.when(jnp.logical_and(s > 0, s < _NSEG - 1))
        def _():
            wait_words(_W_MID)

        @pl.when(s == _NSEG - 1)
        def _():
            wait_words(_W_LAST)

        c_end = jnp.where(s == _NSEG - 1, _NCHUNKS, (s + 1) * _SEG_CH)
        return lax.fori_loop(s * _SEG_CH, c_end, chunk_body, carry)

    act_cp.wait()
    start_row_stream(wid * _ROWS_PER_W)

    def row_body(i, _):
        r = wid * _ROWS_PER_W + i
        zero = jnp.zeros((_L,), jnp.float32)
        carry = ((zero, zero, zero, zero), neg_inf)
        sums, gacc = lax.fori_loop(0, _NSEG, seg_body, carry)
        m = jnp.max(gacc)

        def cfind_body(c, cm):
            cv = cmax_v[pl.ds(c * _L, _L)]
            cand = jnp.where(cv == m, jnp.full((_L,), c, jnp.int32), big_v)
            return jnp.minimum(cm, cand)
        cmin = lax.fori_loop(0, _NCHUNKS, cfind_body, big_v)
        cstar = jnp.min(cmin)

        def stash_body(k, _):
            stash_v[pl.ds(k * _L, _L)] = row_v[pl.ds(cstar * _CHUNK + k * _L, _L)]
            return 0
        lax.fori_loop(0, _CHUNK_VECS, stash_body, 0)
        a_vec = plsc.load_gather(act_v, [jnp.full((_L,), r, jnp.int32)])
        xa = plsc.load_gather(row_v, [a_vec])

        @pl.when(i < _ROWS_PER_W - 1)
        def _():
            start_row_stream(r + 1)

        def rescan_body(k, im):
            x = stash_v[pl.ds(k * _L, _L)]
            cand = jnp.where(x == m, cstar * _CHUNK + k * _L + lane, big_v)
            return jnp.minimum(im, cand)
        imin = lax.fori_loop(0, _CHUNK_VECS, rescan_body, big_v)
        gidx = jnp.min(imin)

        stot = jnp.sum((sums[0] + sums[1]) + (sums[2] + sums[3]))
        logz = _vlog(jnp.full((_L,), stot, jnp.float32))
        lp_vec = xa - logz

        packed = jnp.where(lane == 0, plsc.bitcast(lp_vec, jnp.int32),
                           jnp.full((_L,), gidx, jnp.int32))
        out_s[...] = packed
        pltpu.sync_copy(out_s, out_hbm.at[r])
        return 0

    lax.fori_loop(0, _ROWS_PER_W, row_body, 0)


_sc_kernel = functools.partial(
    pl.kernel,
    mesh=plsc.VectorSubcoreMesh(core_axis_name="c", subcore_axis_name="s"),
    compiler_params=pltpu.CompilerParams(needs_layout_passes=False),
    out_type=jax.ShapeDtypeStruct((_B, _L), jnp.int32),
    scratch_types=[
        pltpu.VMEM((_V,), jnp.float32),
        pltpu.VMEM((_B,), jnp.int32),
        pltpu.VMEM((_NCHUNKS * _L,), jnp.float32),
        pltpu.VMEM((_CHUNK,), jnp.float32),
        pltpu.VMEM((_L,), jnp.int32),
        pltpu.SemaphoreType.DMA,
        pltpu.SemaphoreType.DMA,
    ],
)(_sc_body)


def kernel(logits, actions):
    a32 = actions.astype(jnp.int32).reshape(_B)
    packed = _sc_kernel(logits, a32)
    lp = jax.lax.bitcast_convert_type(packed[:, 0:1], jnp.float32)
    mode = packed[:, 1:2]
    return (lp, mode)

# --- scband reference (transcript-rebuilt; emitter-appended) ---
"""Pipeline reference for scband-fixed-categorical-17403207483625 (READ-ONLY COPY).

The authoritative reference and input builder live on the scoring server;
editing this copy changes nothing except your own understanding.
"""

import jax, jax.numpy as jnp
import numpy as np


def setup_inputs(seed: int = 0) -> dict:
    key = jax.random.key(seed)
    k1, k2 = jax.random.split(key)
    logits = jax.random.normal(k1, (64, 100000), dtype=jnp.float32)
    actions = jax.random.randint(k2, (64, 1), 0, 100000, dtype=jnp.int64 if jax.config.jax_enable_x64 else jnp.int32)
    return {"logits": logits, "actions": actions}


def reference(logits, actions):
    # FixedCategorical.log_probs(actions):
    #   log_prob(actions.squeeze(-1)).view(B, -1).sum(-1).unsqueeze(-1)
    logp = jax.nn.log_softmax(logits, axis=-1)
    a = actions.squeeze(-1)
    lp = jnp.take_along_axis(logp, a[:, None], axis=-1).squeeze(-1)
    log_probs = lp.reshape(actions.shape[0], -1).sum(axis=-1)[:, None]
    # FixedCategorical.mode(): probs.argmax(dim=-1, keepdim=True)
    probs = jax.nn.softmax(logits, axis=-1)
    mode = jnp.argmax(probs, axis=-1, keepdims=True)
    return (log_probs, mode)

if __name__ == "__main__":
    import jax
    _d = setup_inputs()
    print(jax.jit(kernel)(*tuple(_d.values())))

</pallas_src>

<mosaic_0001>
#map = affine_map<(d0, d1) -> (0, 0)>
#map1 = affine_map<(d0, d1) -> (0)>
module attributes {stable_mosaic.version = 14 : i64} {
  func.func @_sc_body(%arg0: i32, %arg1: i32, %arg2: memref<64x100000xf32, #tpu.memory_space<hbm>>, %arg3: memref<64xi32, #tpu.memory_space<hbm>>, %arg4: memref<64x16xi32, #tpu.memory_space<hbm>>, %arg5: memref<100000xf32, #tpu.memory_space<vmem>>, %arg6: memref<64xi32, #tpu.memory_space<vmem>>, %arg7: memref<2000xf32, #tpu.memory_space<vmem>>, %arg8: memref<800xf32, #tpu.memory_space<vmem>>, %arg9: memref<16xi32, #tpu.memory_space<vmem>>, %arg10: memref<!tpu.dma_semaphore, #tpu.memory_space<semaphore_mem>>, %arg11: memref<!tpu.dma_semaphore, #tpu.memory_space<semaphore_mem>>) attributes {dimension_semantics = [#tpu.dimension_semantics<core_parallel>, #tpu.dimension_semantics<subcore_parallel>], iteration_bounds = array<i64: 2, 16>, scalar_prefetch = 0 : i64, scratch_operands = 7 : i64, tpu.core_type = #tpu.core_type<sc_vector_subcore>, window_params = [{transform_indices = #map}, {transform_indices = #map1}, {transform_indices = #map}]} {
    %mul3A = arith.constant 2 : i32
    %mul3A_0 = arith.muli %arg1, %mul3A : i32
    %add3A = arith.addi %mul3A_0, %arg0 : i32
    %iota3A = tpu.iota {dimensions = array<i32: 0>} : vector<16xi32>
    %broadcast_in_dim3A = arith.constant 0xFF800000 : f32
    %broadcast_in_dim3A_1 = vector.broadcast %broadcast_in_dim3A : f32 to vector<16xf32>
    %broadcast_in_dim3A_2 = arith.constant 2147483647 : i32
    %broadcast_in_dim3A_3 = vector.broadcast %broadcast_in_dim3A_2 : i32 to vector<16xi32>
    tpu.enqueue_dma source(%arg3 : memref<64xi32, #tpu.memory_space<hbm>>) target(%arg6 : memref<64xi32, #tpu.memory_space<vmem>>) target_semaphore(%arg11 : memref<!tpu.dma_semaphore, #tpu.memory_space<semaphore_mem>>)
    tpu.wait_dma2 semaphore(%arg11 : memref<!tpu.dma_semaphore, #tpu.memory_space<semaphore_mem>>) src(%arg3 : memref<64xi32, #tpu.memory_space<hbm>>) dst(%arg6 : memref<64xi32, #tpu.memory_space<vmem>>)
    %mul3A_4 = arith.constant 2 : i32
    %mul3A_5 = arith.muli %add3A, %mul3A_4 : i32
    %dma_start3A = arith.constant 0 : i32
    %dma_start3A_6 = tpu.memref_slice %arg2[%mul3A_5, %dma_start3A] : memref<64x100000xf32, #tpu.memory_space<hbm>> -> memref<1x100000xf32, #tpu.memory_space<hbm>>
    %dma_start3A_7 = tpu.memref_squeeze %dma_start3A_6 : memref<1x100000xf32, #tpu.memory_space<hbm>> -> memref<100000xf32, #tpu.memory_space<hbm>>
    %dma_start3A_8 = arith.constant 0 : i32
    %dma_start3A_9 = tpu.memref_slice %arg2[%mul3A_5, %dma_start3A_8] : memref<64x100000xf32, #tpu.memory_space<hbm>> -> memref<1x100000xf32, #tpu.memory_space<hbm>>
    %dma_start3A_10 = tpu.memref_squeeze %dma_start3A_9 : memref<1x100000xf32, #tpu.memory_space<hbm>> -> memref<100000xf32, #tpu.memory_space<hbm>>
    tpu.enqueue_dma source(%dma_start3A_10 : memref<100000xf32, #tpu.memory_space<hbm>>) target(%arg5 : memref<100000xf32, #tpu.memory_space<vmem>>) target_semaphore(%arg10 : memref<!tpu.dma_semaphore, #tpu.memory_space<semaphore_mem>>)
    %scan3A = arith.constant 0 : i32
    %scan3A_11 = arith.constant 0 : i32
    %scan3A_12 = arith.constant 2 : i32
    %scan3A_13 = arith.addi %scan3A_11, %scan3A_12 : i32
    %scan3A_14 = arith.constant 1 : i32
    %scan3A_15 = scf.for %scan3A_17 = %scan3A_11 to %scan3A_13 step %scan3A_14 iter_args(%scan3A_18 = %scan3A) -> (i32)  : i32 {
      %mul3A_19 = arith.constant 2 : i32
      %mul3A_20 = arith.muli %add3A, %mul3A_19 : i32
      %add3A_21 = arith.addi %mul3A_20, %scan3A_17 : i32
      %broadcast_in_dim3A_22 = arith.constant 0.000000e+00 : f32
      %broadcast_in_dim3A_23 = vector.broadcast %broadcast_in_dim3A_22 : f32 to vector<16xf32>
      %scan3A_24 = arith.constant 0 : i32
      %scan3A_25 = arith.constant 16 : i32
      %scan3A_26 = arith.addi %scan3A_24, %scan3A_25 : i32
      %scan3A_27 = arith.constant 1 : i32
      %scan3A_28:5 = scf.for %scan3A_139 = %scan3A_24 to %scan3A_26 step %scan3A_27 iter_args(%scan3A_140 = %broadcast_in_dim3A_23, %scan3A_141 = %broadcast_in_dim3A_23, %scan3A_142 = %broadcast_in_dim3A_23, %scan3A_143 = %broadcast_in_dim3A_23, %scan3A_144 = %broadcast_in_dim3A_1) -> (vector<16xf32>, vector<16xf32>, vector<16xf32>, vector<16xf32>, vector<16xf32>)  : i32 {
        %eq3A_145 = arith.constant 0 : i32
        %eq3A_146 = arith.cmpi eq, %scan3A_139, %eq3A_145 : i32
        %convert_element_type3A_147 = arith.extui %eq3A_146 : i1 to i32
        %cond3A_148 = arith.constant 0 : i32
        %cond3A_149 = arith.cmpi ne, %convert_element_type3A_147, %cond3A_148 : i32
        scf.if %cond3A_149 {
          %dma_wait3A = arith.constant 0 : i32
          %dma_wait3A_182 = arith.constant 0 : i32
          %dma_wait3A_183 = tpu.memref_slice %arg5[%dma_wait3A_182] : memref<100000xf32, #tpu.memory_space<vmem>> -> memref<9600xf32, #tpu.memory_space<vmem>>
          %dma_wait3A_184 = arith.constant 0 : i32
          %dma_wait3A_185 = tpu.memref_slice %arg2[%dma_wait3A, %dma_wait3A_184] : memref<64x100000xf32, #tpu.memory_space<hbm>> -> memref<1x9600xf32, #tpu.memory_space<hbm>>
          %dma_wait3A_186 = tpu.memref_squeeze %dma_wait3A_185 : memref<1x9600xf32, #tpu.memory_space<hbm>> -> memref<9600xf32, #tpu.memory_space<hbm>>
          %dma_wait3A_187 = arith.constant 0 : i32
          %dma_wait3A_188 = tpu.memref_slice %arg5[%dma_wait3A_187] : memref<100000xf32, #tpu.memory_space<vmem>> -> memref<9600xf32, #tpu.memory_space<vmem>>
          %dma_wait3A_189 = arith.constant 0 : i32
          %dma_wait3A_190 = tpu.memref_slice %arg2[%dma_wait3A, %dma_wait3A_189] : memref<64x100000xf32, #tpu.memory_space<hbm>> -> memref<1x9600xf32, #tpu.memory_space<hbm>>
          %dma_wait3A_191 = tpu.memref_squeeze %dma_wait3A_190 : memref<1x9600xf32, #tpu.memory_space<hbm>> -> memref<9600xf32, #tpu.memory_space<hbm>>
          tpu.wait_dma2 semaphore(%arg10 : memref<!tpu.dma_semaphore, #tpu.memory_space<semaphore_mem>>) src(%dma_wait3A_191 : memref<9600xf32, #tpu.memory_space<hbm>>) dst(%dma_wait3A_188 : memref<9600xf32, #tpu.memory_space<vmem>>)
        } else {
        }
        %gt3A_150 = arith.constant 0 : i32
        %gt3A_151 = arith.cmpi sgt, %scan3A_139, %gt3A_150 : i32
        %lt3A_152 = arith.constant 15 : i32
        %lt3A_153 = arith.cmpi slt, %scan3A_139, %lt3A_152 : i32
        %and3A_154 = arith.andi %gt3A_151, %lt3A_153 : i1
        %convert_element_type3A_155 = arith.extui %and3A_154 : i1 to i32
        %cond3A_156 = arith.constant 0 : i32
        %cond3A_157 = arith.cmpi ne, %convert_element_type3A_155, %cond3A_156 : i32
        scf.if %cond3A_157 {
          %dma_wait3A = arith.constant 0 : i32
          %dma_wait3A_182 = arith.constant 0 : i32
          %dma_wait3A_183 = tpu.memref_slice %arg5[%dma_wait3A_182] : memref<100000xf32, #tpu.memory_space<vmem>> -> memref<6400xf32, #tpu.memory_space<vmem>>
          %dma_wait3A_184 = arith.constant 0 : i32
          %dma_wait3A_185 = tpu.memref_slice %arg2[%dma_wait3A, %dma_wait3A_184] : memref<64x100000xf32, #tpu.memory_space<hbm>> -> memref<1x6400xf32, #tpu.memory_space<hbm>>
          %dma_wait3A_186 = tpu.memref_squeeze %dma_wait3A_185 : memref<1x6400xf32, #tpu.memory_space<hbm>> -> memref<6400xf32, #tpu.memory_space<hbm>>
          %dma_wait3A_187 = arith.constant 0 : i32
          %dma_wait3A_188 = tpu.memref_slice %arg5[%dma_wait3A_187] : memref<100000xf32, #tpu.memory_space<vmem>> -> memref<6400xf32, #tpu.memory_space<vmem>>
          %dma_wait3A_189 = arith.constant 0 : i32
          %dma_wait3A_190 = tpu.memref_slice %arg2[%dma_wait3A, %dma_wait3A_189] : memref<64x100000xf32, #tpu.memory_space<hbm>> -> memref<1x6400xf32, #tpu.memory_space<hbm>>
          %dma_wait3A_191 = tpu.memref_squeeze %dma_wait3A_190 : memref<1x6400xf32, #tpu.memory_space<hbm>> -> memref<6400xf32, #tpu.memory_space<hbm>>
          tpu.wait_dma2 semaphore(%arg10 : memref<!tpu.dma_semaphore, #tpu.memory_space<semaphore_mem>>) src(%dma_wait3A_191 : memref<6400xf32, #tpu.memory_space<hbm>>) dst(%dma_wait3A_188 : memref<6400xf32, #tpu.memory_space<vmem>>)
        } else {
        }
        %eq3A_158 = arith.constant 15 : i32
        %eq3A_159 = arith.cmpi eq, %scan3A_139, %eq3A_158 : i32
        %convert_element_type3A_160 = arith.extui %eq3A_159 : i1 to i32
        %cond3A_161 = arith.constant 0 : i32
        %cond3A_162 = arith.cmpi ne, %convert_element_type3A_160, %cond3A_161 : i32
        scf.if %cond3A_162 {
          %dma_wait3A = arith.constant 0 : i32
          %dma_wait3A_182 = arith.constant 0 : i32
          %dma_wait3A_183 = tpu.memref_slice %arg5[%dma_wait3A_182] : memref<100000xf32, #tpu.memory_space<vmem>> -> memref<896xf32, #tpu.memory_space<vmem>>
          %dma_wait3A_184 = arith.constant 0 : i32
          %dma_wait3A_185 = tpu.memref_slice %arg2[%dma_wait3A, %dma_wait3A_184] : memref<64x100000xf32, #tpu.memory_space<hbm>> -> memref<1x896xf32, #tpu.memory_space<hbm>>
          %dma_wait3A_186 = tpu.memref_squeeze %dma_wait3A_185 : memref<1x896xf32, #tpu.memory_space<hbm>> -> memref<896xf32, #tpu.memory_space<hbm>>
          %dma_wait3A_187 = arith.constant 0 : i32
          %dma_wait3A_188 = tpu.memref_slice %arg5[%dma_wait3A_187] : memref<100000xf32, #tpu.memory_space<vmem>> -> memref<896xf32, #tpu.memory_space<vmem>>
          %dma_wait3A_189 = arith.constant 0 : i32
          %dma_wait3A_190 = tpu.memref_slice %arg2[%dma_wait3A, %dma_wait3A_189] : memref<64x100000xf32, #tpu.memory_space<hbm>> -> memref<1x896xf32, #tpu.memory_space<hbm>>
          %dma_wait3A_191 = tpu.memref_squeeze %dma_wait3A_190 : memref<1x896xf32, #tpu.memory_space<hbm>> -> memref<896xf32, #tpu.memory_space<hbm>>
          tpu.wait_dma2 semaphore(%arg10 : memref<!tpu.dma_semaphore, #tpu.memory_space<semaphore_mem>>) src(%dma_wait3A_191 : memref<896xf32, #tpu.memory_space<hbm>>) dst(%dma_wait3A_188 : memref<896xf32, #tpu.memory_space<vmem>>)
        } else {
        }
        %eq3A_163 = arith.constant 15 : i32
        %eq3A_164 = arith.cmpi eq, %scan3A_139, %eq3A_163 : i32
        %add3A_165 = arith.constant 1 : i32
        %add3A_166 = arith.addi %scan3A_139, %add3A_165 : i32
        %mul3A_167 = arith.constant 8 : i32
        %mul3A_168 = arith.muli %add3A_166, %mul3A_167 : i32
        %jit3A_169 = arith.constant 125 : i32
        %select_n3A_170 = arith.select %eq3A_164, %jit3A_169, %mul3A_168 : i32
        %mul3A_171 = arith.constant 8 : i32
        %mul3A_172 = arith.muli %scan3A_139, %mul3A_171 : i32
        %while3A = arith.subi %select_n3A_170, %mul3A_172 : i32
        %while3A_173 = arith.addi %mul3A_172, %while3A : i32
        %while3A_174 = arith.constant 1 : i32
        %while3A_175 = arith.divsi %while3A, %while3A_174 : i32
        %while3A_176 = arith.muli %while3A_175, %while3A_174 : i32
        %while3A_177 = arith.addi %mul3A_172, %while3A_176 : i32
        %while3A_178 = arith.constant 1 : i32
        %while3A_179:5 = scf.for %while3A_182 = %mul3A_172 to %while3A_177 step %while3A_178 iter_args(%while3A_183 = %scan3A_140, %while3A_184 = %scan3A_141, %while3A_185 = %scan3A_142, %while3A_186 = %scan3A_143, %while3A_187 = %scan3A_144) -> (vector<16xf32>, vector<16xf32>, vector<16xf32>, vector<16xf32>, vector<16xf32>)  : i32 {
          %mul3A_188 = arith.constant 800 : i32
          %mul3A_189 = arith.muli %while3A_182, %mul3A_188 : i32
          %add3A_190 = arith.constant 0 : i32
          %add3A_191 = arith.addi %mul3A_189, %add3A_190 : i32
          %get3A = arith.index_cast %add3A_191 : i32 to index
          %get3A_192 = tpu.vector_load %arg5[%get3A] {strides = array<i32>} : memref<100000xf32, #tpu.memory_space<vmem>>, vector<16xf32>,
          %max3A = arith.maximumf %broadcast_in_dim3A_1, %get3A_192 : vector<16xf32>
          %exp3A = math.exp %get3A_192 : vector<16xf32>
          %add3A_193 = arith.addf %while3A_183, %exp3A : vector<16xf32>
          %add3A_194 = arith.constant 16 : i32
          %add3A_195 = arith.addi %mul3A_189, %add3A_194 : i32
          %get3A_196 = arith.index_cast %add3A_195 : i32 to index
          %get3A_197 = tpu.vector_load %arg5[%get3A_196] {strides = array<i32>} : memref<100000xf32, #tpu.memory_space<vmem>>, vector<16xf32>,
          %max3A_198 = arith.maximumf %broadcast_in_dim3A_1, %get3A_197 : vector<16xf32>
          %exp3A_199 = math.exp %get3A_197 : vector<16xf32>
          %add3A_200 = arith.addf %while3A_184, %exp3A_199 : vector<16xf32>
          %add3A_201 = arith.constant 32 : i32
          %add3A_202 = arith.addi %mul3A_189, %add3A_201 : i32
          %get3A_203 = arith.index_cast %add3A_202 : i32 to index
          %get3A_204 = tpu.vector_load %arg5[%get3A_203] {strides = array<i32>} : memref<100000xf32, #tpu.memory_space<vmem>>, vector<16xf32>,
          %max3A_205 = arith.maximumf %broadcast_in_dim3A_1, %get3A_204 : vector<16xf32>
          %exp3A_206 = math.exp %get3A_204 : vector<16xf32>
          %add3A_207 = arith.addf %while3A_185, %exp3A_206 : vector<16xf32>
          %add3A_208 = arith.constant 48 : i32
          %add3A_209 = arith.addi %mul3A_189, %add3A_208 : i32
          %get3A_210 = arith.index_cast %add3A_209 : i32 to index
          %get3A_211 = tpu.vector_load %arg5[%get3A_210] {strides = array<i32>} : memref<100000xf32, #tpu.memory_space<vmem>>, vector<16xf32>,
          %max3A_212 = arith.maximumf %broadcast_in_dim3A_1, %get3A_211 : vector<16xf32>
          %exp3A_213 = math.exp %get3A_211 : vector<16xf32>
          %add3A_214 = arith.addf %while3A_186, %exp3A_213 : vector<16xf32>
          %add3A_215 = arith.constant 64 : i32
          %add3A_216 = arith.addi %mul3A_189, %add3A_215 : i32
          %get3A_217 = arith.index_cast %add3A_216 : i32 to index
          %get3A_218 = tpu.vector_load %arg5[%get3A_217] {strides = array<i32>} : memref<100000xf32, #tpu.memory_space<vmem>>, vector<16xf32>,
          %max3A_219 = arith.maximumf %max3A, %get3A_218 : vector<16xf32>
          %exp3A_220 = math.exp %get3A_218 : vector<16xf32>
          %add3A_221 = arith.addf %add3A_193, %exp3A_220 : vector<16xf32>
          %add3A_222 = arith.constant 80 : i32
          %add3A_223 = arith.addi %mul3A_189, %add3A_222 : i32
          %get3A_224 = arith.index_cast %add3A_223 : i32 to index
          %get3A_225 = tpu.vector_load %arg5[%get3A_224] {strides = array<i32>} : memref<100000xf32, #tpu.memory_space<vmem>>, vector<16xf32>,
          %max3A_226 = arith.maximumf %max3A_198, %get3A_225 : vector<16xf32>
          %exp3A_227 = math.exp %get3A_225 : vector<16xf32>
          %add3A_228 = arith.addf %add3A_200, %exp3A_227 : vector<16xf32>
          %add3A_229 = arith.constant 96 : i32
          %add3A_230 = arith.addi %mul3A_189, %add3A_229 : i32
          %get3A_231 = arith.index_cast %add3A_230 : i32 to index
          %get3A_232 = tpu.vector_load %arg5[%get3A_231] {strides = array<i32>} : memref<100000xf32, #tpu.memory_space<vmem>>, vector<16xf32>,
          %max3A_233 = arith.maximumf %max3A_205, %get3A_232 : vector<16xf32>
          %exp3A_234 = math.exp %get3A_232 : vector<16xf32>
          %add3A_235 = arith.addf %add3A_207, %exp3A_234 : vector<16xf32>
          %add3A_236 = arith.constant 112 : i32
          %add3A_237 = arith.addi %mul3A_189, %add3A_236 : i32
          %get3A_238 = arith.index_cast %add3A_237 : i32 to index
          %get3A_239 = tpu.vector_load %arg5[%get3A_238] {strides = array<i32>} : memref<100000xf32, #tpu.memory_space<vmem>>, vector<16xf32>,
          %max3A_240 = arith.maximumf %max3A_212, %get3A_239 : vector<16xf32>
          %exp3A_241 = math.exp %get3A_239 : vector<16xf32>
          %add3A_242 = arith.addf %add3A_214, %exp3A_241 : vector<16xf32>
          %add3A_243 = arith.constant 128 : i32
          %add3A_244 = arith.addi %mul3A_189, %add3A_243 : i32
          %get3A_245 = arith.index_cast %add3A_244 : i32 to index
          %get3A_246 = tpu.vector_load %arg5[%get3A_245] {strides = array<i32>} : memref<100000xf32, #tpu.memory_space<vmem>>, vector<16xf32>,
          %max3A_247 = arith.maximumf %max3A_219, %get3A_246 : vector<16xf32>
          %exp3A_248 = math.exp %get3A_246 : vector<16xf32>
          %add3A_249 = arith.addf %add3A_221, %exp3A_248 : vector<16xf32>
          %add3A_250 = arith.constant 144 : i32
          %add3A_251 = arith.addi %mul3A_189, %add3A_250 : i32
          %get3A_252 = arith.index_cast %add3A_251 : i32 to index
          %get3A_253 = tpu.vector_load %arg5[%get3A_252] {strides = array<i32>} : memref<100000xf32, #tpu.memory_space<vmem>>, vector<16xf32>,
          %max3A_254 = arith.maximumf %max3A_226, %get3A_253 : vector<16xf32>
          %exp3A_255 = math.exp %get3A_253 : vector<16xf32>
          %add3A_256 = arith.addf %add3A_228, %exp3A_255 : vector<16xf32>
          %add3A_257 = arith.constant 160 : i32
          %add3A_258 = arith.addi %mul3A_189, %add3A_257 : i32
          %get3A_259 = arith.index_cast %add3A_258 : i32 to index
          %get3A_260 = tpu.vector_load %arg5[%get3A_259] {strides = array<i32>} : memref<100000xf32, #tpu.memory_space<vmem>>, vector<16xf32>,
          %max3A_261 = arith.maximumf %max3A_233, %get3A_260 : vector<16xf32>
          %exp3A_262 = math.exp %get3A_260 : vector<16xf32>
          %add3A_263 = arith.addf %add3A_235, %exp3A_262 : vector<16xf32>
          %add3A_264 = arith.constant 176 : i32
          %add3A_265 = arith.addi %mul3A_189, %add3A_264 : i32
          %get3A_266 = arith.index_cast %add3A_265 : i32 to index
          %get3A_267 = tpu.vector_load %arg5[%get3A_266] {strides = array<i32>} : memref<100000xf32, #tpu.memory_space<vmem>>, vector<16xf32>,
          %max3A_268 = arith.maximumf %max3A_240, %get3A_267 : vector<16xf32>
          %exp3A_269 = math.exp %get3A_267 : vector<16xf32>
          %add3A_270 = arith.addf %add3A_242, %exp3A_269 : vector<16xf32>
          %add3A_271 = arith.constant 192 : i32
          %add3A_272 = arith.addi %mul3A_189, %add3A_271 : i32
          %get3A_273 = arith.index_cast %add3A_272 : i32 to index
          %get3A_274 = tpu.vector_load %arg5[%get3A_273] {strides = array<i32>} : memref<100000xf32, #tpu.memory_space<vmem>>, vector<16xf32>,
          %max3A_275 = arith.maximumf %max3A_247, %get3A_274 : vector<16xf32>
          %exp3A_276 = math.exp %get3A_274 : vector<16xf32>
          %add3A_277 = arith.addf %add3A_249, %exp3A_276 : vector<16xf32>
          %add3A_278 = arith.constant 208 : i32
          %add3A_279 = arith.addi %mul3A_189, %add3A_278 : i32
          %get3A_280 = arith.index_cast %add3A_279 : i32 to index
          %get3A_281 = tpu.vector_load %arg5[%get3A_280] {strides = array<i32>} : memref<100000xf32, #tpu.memory_space<vmem>>, vector<16xf32>,
          %max3A_282 = arith.maximumf %max3A_254, %get3A_281 : vector<16xf32>
          %exp3A_283 = math.exp %get3A_281 : vector<16xf32>
          %add3A_284 = arith.addf %add3A_256, %exp3A_283 : vector<16xf32>
          %add3A_285 = arith.constant 224 : i32
          %add3A_286 = arith.addi %mul3A_189, %add3A_285 : i32
          %get3A_287 = arith.index_cast %add3A_286 : i32 to index
          %get3A_288 = tpu.vector_load %arg5[%get3A_287] {strides = array<i32>} : memref<100000xf32, #tpu.memory_space<vmem>>, vector<16xf32>,
          %max3A_289 = arith.maximumf %max3A_261, %get3A_288 : vector<16xf32>
          %exp3A_290 = math.exp %get3A_288 : vector<16xf32>
          %add3A_291 = arith.addf %add3A_263, %exp3A_290 : vector<16xf32>
          %add3A_292 = arith.constant 240 : i32
          %add3A_293 = arith.addi %mul3A_189, %add3A_292 : i32
          %get3A_294 = arith.index_cast %add3A_293 : i32 to index
          %get3A_295 = tpu.vector_load %arg5[%get3A_294] {strides = array<i32>} : memref<100000xf32, #tpu.memory_space<vmem>>, vector<16xf32>,
          %max3A_296 = arith.maximumf %max3A_268, %get3A_295 : vector<16xf32>
          %exp3A_297 = math.exp %get3A_295 : vector<16xf32>
          %add3A_298 = arith.addf %add3A_270, %exp3A_297 : vector<16xf32>
          %add3A_299 = arith.constant 256 : i32
          %add3A_300 = arith.addi %mul3A_189, %add3A_299 : i32
          %get3A_301 = arith.index_cast %add3A_300 : i32 to index
          %get3A_302 = tpu.vector_load %arg5[%get3A_301] {strides = array<i32>} : memref<100000xf32, #tpu.memory_space<vmem>>, vector<16xf32>,
          %max3A_303 = arith.maximumf %max3A_275, %get3A_302 : vector<16xf32>
          %exp3A_304 = math.exp %get3A_302 : vector<16xf32>
          %add3A_305 = arith.addf %add3A_277, %exp3A_304 : vector<16xf32>
          %add3A_306 = arith.constant 272 : i32
          %add3A_307 = arith.addi %mul3A_189, %add3A_306 : i32
          %get3A_308 = arith.index_cast %add3A_307 : i32 to index
          %get3A_309 = tpu.vector_load %arg5[%get3A_308] {strides = array<i32>} : memref<100000xf32, #tpu.memory_space<vmem>>, vector<16xf32>,
          %max3A_310 = arith.maximumf %max3A_282, %get3A_309 : vector<16xf32>
          %exp3A_311 = math.exp %get3A_309 : vector<16xf32>
          %add3A_312 = arith.addf %add3A_284, %exp3A_311 : vector<16xf32>
          %add3A_313 = arith.constant 288 : i32
          %add3A_314 = arith.addi %mul3A_189, %add3A_313 : i32
          %get3A_315 = arith.index_cast %add3A_314 : i32 to index
          %get3A_316 = tpu.vector_load %arg5[%get3A_315] {strides = array<i32>} : memref<100000xf32, #tpu.memory_space<vmem>>, vector<16xf32>,
          %max3A_317 = arith.maximumf %max3A_289, %get3A_316 : vector<16xf32>
          %exp3A_318 = math.exp %get3A_316 : vector<16xf32>
          %add3A_319 = arith.addf %add3A_291, %exp3A_318 : vector<16xf32>
          %add3A_320 = arith.constant 304 : i32
          %add3A_321 = arith.addi %mul3A_189, %add3A_320 : i32
          %get3A_322 = arith.index_cast %add3A_321 : i32 to index
          %get3A_323 = tpu.vector_load %arg5[%get3A_322] {strides = array<i32>} : memref<100000xf32, #tpu.memory_space<vmem>>, vector<16xf32>,
          %max3A_324 = arith.maximumf %max3A_296, %get3A_323 : vector<16xf32>
          %exp3A_325 = math.exp %get3A_323 : vector<16xf32>
          %add3A_326 = arith.addf %add3A_298, %exp3A_325 : vector<16xf32>
          %add3A_327 = arith.constant 320 : i32
          %add3A_328 = arith.addi %mul3A_189, %add3A_327 : i32
          %get3A_329 = arith.index_cast %add3A_328 : i32 to index
          %get3A_330 = tpu.vector_load %arg5[%get3A_329] {strides = array<i32>} : memref<100000xf32, #tpu.memory_space<vmem>>, vector<16xf32>,
          %max3A_331 = arith.maximumf %max3A_303, %get3A_330 : vector<16xf32>
          %exp3A_332 = math.exp %get3A_330 : vector<16xf32>
          %add3A_333 = arith.addf %add3A_305, %exp3A_332 : vector<16xf32>
          %add3A_334 = arith.constant 336 : i32
          %add3A_335 = arith.addi %mul3A_189, %add3A_334 : i32
          %get3A_336 = arith.index_cast %add3A_335 : i32 to index
          %get3A_337 = tpu.vector_load %arg5[%get3A_336] {strides = array<i32>} : memref<100000xf32, #tpu.memory_space<vmem>>, vector<16xf32>,
          %max3A_338 = arith.maximumf %max3A_310, %get3A_337 : vector<16xf32>
          %exp3A_339 = math.exp %get3A_337 : vector<16xf32>
          %add3A_340 = arith.addf %add3A_312, %exp3A_339 : vector<16xf32>
          %add3A_341 = arith.constant 352 : i32
          %add3A_342 = arith.addi %mul3A_189, %add3A_341 : i32
          %get3A_343 = arith.index_cast %add3A_342 : i32 to index
          %get3A_344 = tpu.vector_load %arg5[%get3A_343] {strides = array<i32>} : memref<100000xf32, #tpu.memory_space<vmem>>, vector<16xf32>,
          %max3A_345 = arith.maximumf %max3A_317, %get3A_344 : vector<16xf32>
          %exp3A_346 = math.exp %get3A_344 : vector<16xf32>
          %add3A_347 = arith.addf %add3A_319, %exp3A_346 : vector<16xf32>
          %add3A_348 = arith.constant 368 : i32
          %add3A_349 = arith.addi %mul3A_189, %add3A_348 : i32
          %get3A_350 = arith.index_cast %add3A_349 : i32 to index
          %get3A_351 = tpu.vector_load %arg5[%get3A_350] {strides = array<i32>} : memref<100000xf32, #tpu.memory_space<vmem>>, vector<16xf32>,
          %max3A_352 = arith.maximumf %max3A_324, %get3A_351 : vector<16xf32>
          %exp3A_353 = math.exp %get3A_351 : vector<16xf32>
          %add3A_354 = arith.addf %add3A_326, %exp3A_353 : vector<16xf32>
          %add3A_355 = arith.constant 384 : i32
          %add3A_356 = arith.addi %mul3A_189, %add3A_355 : i32
          %get3A_357 = arith.index_cast %add3A_356 : i32 to index
          %get3A_358 = tpu.vector_load %arg5[%get3A_357] {strides = array<i32>} : memref<100000xf32, #tpu.memory_space<vmem>>, vector<16xf32>,
          %max3A_359 = arith.maximumf %max3A_331, %get3A_358 : vector<16xf32>
          %exp3A_360 = math.exp %get3A_358 : vector<16xf32>
          %add3A_361 = arith.addf %add3A_333, %exp3A_360 : vector<16xf32>
          %add3A_362 = arith.constant 400 : i32
          %add3A_363 = arith.addi %mul3A_189, %add3A_362 : i32
          %get3A_364 = arith.index_cast %add3A_363 : i32 to index
          %get3A_365 = tpu.vector_load %arg5[%get3A_364] {strides = array<i32>} : memref<100000xf32, #tpu.memory_space<vmem>>, vector<16xf32>,
          %max3A_366 = arith.maximumf %max3A_338, %get3A_365 : vector<16xf32>
          %exp3A_367 = math.exp %get3A_365 : vector<16xf32>
          %add3A_368 = arith.addf %add3A_340, %exp3A_367 : vector<16xf32>
          %add3A_369 = arith.constant 416 : i32
          %add3A_370 = arith.addi %mul3A_189, %add3A_369 : i32
          %get3A_371 = arith.index_cast %add3A_370 : i32 to index
          %get3A_372 = tpu.vector_load %arg5[%get3A_371] {strides = array<i32>} : memref<100000xf32, #tpu.memory_space<vmem>>, vector<16xf32>,
          %max3A_373 = arith.maximumf %max3A_345, %get3A_372 : vector<16xf32>
          %exp3A_374 = math.exp %get3A_372 : vector<16xf32>
          %add3A_375 = arith.addf %add3A_347, %exp3A_374 : vector<16xf32>
          %add3A_376 = arith.constant 432 : i32
          %add3A_377 = arith.addi %mul3A_189, %add3A_376 : i32
          %get3A_378 = arith.index_cast %add3A_377 : i32 to index
          %get3A_379 = tpu.vector_load %arg5[%get3A_378] {strides = array<i32>} : memref<100000xf32, #tpu.memory_space<vmem>>, vector<16xf32>,
          %max3A_380 = arith.maximumf %max3A_352, %get3A_379 : vector<16xf32>
          %exp3A_381 = math.exp %get3A_379 : vector<16xf32>
          %add3A_382 = arith.addf %add3A_354, %exp3A_381 : vector<16xf32>
          %add3A_383 = arith.constant 448 : i32
          %add3A_384 = arith.addi %mul3A_189, %add3A_383 : i32
          %get3A_385 = arith.index_cast %add3A_384 : i32 to index
          %get3A_386 = tpu.vector_load %arg5[%get3A_385] {strides = array<i32>} : memref<100000xf32, #tpu.memory_space<vmem>>, vector<16xf32>,
          %max3A_387 = arith.maximumf %max3A_359, %get3A_386 : vector<16xf32>
          %exp3A_388 = math.exp %get3A_386 : vector<16xf32>
          %add3A_389 = arith.addf %add3A_361, %exp3A_388 : vector<16xf32>
          %add3A_390 = arith.constant 464 : i32
          %add3A_391 = arith.addi %mul3A_189, %add3A_390 : i32
          %get3A_392 = arith.index_cast %add3A_391 : i32 to index
          %get3A_393 = tpu.vector_load %arg5[%get3A_392] {strides = array<i32>} : memref<100000xf32, #tpu.memory_space<vmem>>, vector<16xf32>,
          %max3A_394 = arith.maximumf %max3A_366, %get3A_393 : vector<16xf32>
          %exp3A_395 = math.exp %get3A_393 : vector<16xf32>
          %add3A_396 = arith.addf %add3A_368, %exp3A_395 : vector<16xf32>
          %add3A_397 = arith.constant 480 : i32
          %add3A_398 = arith.addi %mul3A_189, %add3A_397 : i32
          %get3A_399 = arith.index_cast %add3A_398 : i32 to index
          %get3A_400 = tpu.vector_load %arg5[%get3A_399] {strides = array<i32>} : memref<100000xf32, #tpu.memory_space<vmem>>, vector<16xf32>,
          %max3A_401 = arith.maximumf %max3A_373, %get3A_400 : vector<16xf32>
          %exp3A_402 = math.exp %get3A_400 : vector<16xf32>
          %add3A_403 = arith.addf %add3A_375, %exp3A_402 : vector<16xf32>
          %add3A_404 = arith.constant 496 : i32
          %add3A_405 = arith.addi %mul3A_189, %add3A_404 : i32
          %get3A_406 = arith.index_cast %add3A_405 : i32 to index
          %get3A_407 = tpu.vector_load %arg5[%get3A_406] {strides = array<i32>} : memref<100000xf32, #tpu.memory_space<vmem>>, vector<16xf32>,
          %max3A_408 = arith.maximumf %max3A_380, %get3A_407 : vector<16xf32>
          %exp3A_409 = math.exp %get3A_407 : vector<16xf32>
          %add3A_410 = arith.addf %add3A_382, %exp3A_409 : vector<16xf32>
          %add3A_411 = arith.constant 512 : i32
          %add3A_412 = arith.addi %mul3A_189, %add3A_411 : i32
          %get3A_413 = arith.index_cast %add3A_412 : i32 to index
          %get3A_414 = tpu.vector_load %arg5[%get3A_413] {strides = array<i32>} : memref<100000xf32, #tpu.memory_space<vmem>>, vector<16xf32>,
          %max3A_415 = arith.maximumf %max3A_387, %get3A_414 : vector<16xf32>
          %exp3A_416 = math.exp %get3A_414 : vector<16xf32>
          %add3A_417 = arith.addf %add3A_389, %exp3A_416 : vector<16xf32>
          %add3A_418 = arith.constant 528 : i32
          %add3A_419 = arith.addi %mul3A_189, %add3A_418 : i32
          %get3A_420 = arith.index_cast %add3A_419 : i32 to index
          %get3A_421 = tpu.vector_load %arg5[%get3A_420] {strides = array<i32>} : memref<100000xf32, #tpu.memory_space<vmem>>, vector<16xf32>,
          %max3A_422 = arith.maximumf %max3A_394, %get3A_421 : vector<16xf32>
          %exp3A_423 = math.exp %get3A_421 : vector<16xf32>
          %add3A_424 = arith.addf %add3A_396, %exp3A_423 : vector<16xf32>
          %add3A_425 = arith.constant 544 : i32
          %add3A_426 = arith.addi %mul3A_189, %add3A_425 : i32
          %get3A_427 = arith.index_cast %add3A_426 : i32 to index
          %get3A_428 = tpu.vector_load %arg5[%get3A_427] {strides = array<i32>} : memref<100000xf32, #tpu.memory_space<vmem>>, vector<16xf32>,
          %max3A_429 = arith.maximumf %max3A_401, %get3A_428 : vector<16xf32>
          %exp3A_430 = math.exp %get3A_428 : vector<16xf32>
          %add3A_431 = arith.addf %add3A_403, %exp3A_430 : vector<16xf32>
          %add3A_432 = arith.constant 560 : i32
          %add3A_433 = arith.addi %mul3A_189, %add3A_432 : i32
          %get3A_434 = arith.index_cast %add3A_433 : i32 to index
          %get3A_435 = tpu.vector_load %arg5[%get3A_434] {strides = array<i32>} : memref<100000xf32, #tpu.memory_space<vmem>>, vector<16xf32>,
          %max3A_436 = arith.maximumf %max3A_408, %get3A_435 : vector<16xf32>
          %exp3A_437 = math.exp %get3A_435 : vector<16xf32>
          %add3A_438 = arith.addf %add3A_410, %exp3A_437 : vector<16xf32>
          %add3A_439 = arith.constant 576 : i32
          %add3A_440 = arith.addi %mul3A_189, %add3A_439 : i32
          %get3A_441 = arith.index_cast %add3A_440 : i32 to index
          %get3A_442 = tpu.vector_load %arg5[%get3A_441] {strides = array<i32>} : memref<100000xf32, #tpu.memory_space<vmem>>, vector<16xf32>,
          %max3A_443 = arith.maximumf %max3A_415, %get3A_442 : vector<16xf32>
          %exp3A_444 = math.exp %get3A_442 : vector<16xf32>
          %add3A_445 = arith.addf %add3A_417, %exp3A_444 : vector<16xf32>
          %add3A_446 = arith.constant 592 : i32
          %add3A_447 = arith.addi %mul3A_189, %add3A_446 : i32
          %get3A_448 = arith.index_cast %add3A_447 : i32 to index
          %get3A_449 = tpu.vector_load %arg5[%get3A_448] {strides = array<i32>} : memref<100000xf32, #tpu.memory_space<vmem>>, vector<16xf32>,
          %max3A_450 = arith.maximumf %max3A_422, %get3A_449 : vector<16xf32>
          %exp3A_451 = math.exp %get3A_449 : vector<16xf32>
          %add3A_452 = arith.addf %add3A_424, %exp3A_451 : vector<16xf32>
          %add3A_453 = arith.constant 608 : i32
          %add3A_454 = arith.addi %mul3A_189, %add3A_453 : i32
          %get3A_455 = arith.index_cast %add3A_454 : i32 to index
          %get3A_456 = tpu.vector_load %arg5[%get3A_455] {strides = array<i32>} : memref<100000xf32, #tpu.memory_space<vmem>>, vector<16xf32>,
          %max3A_457 = arith.maximumf %max3A_429, %get3A_456 : vector<16xf32>
          %exp3A_458 = math.exp %get3A_456 : vector<16xf32>
          %add3A_459 = arith.addf %add3A_431, %exp3A_458 : vector<16xf32>
          %add3A_460 = arith.constant 624 : i32
          %add3A_461 = arith.addi %mul3A_189, %add3A_460 : i32
          %get3A_462 = arith.index_cast %add3A_461 : i32 to index
          %get3A_463 = tpu.vector_load %arg5[%get3A_462] {strides = array<i32>} : memref<100000xf32, #tpu.memory_space<vmem>>, vector<16xf32>,
          %max3A_464 = arith.maximumf %max3A_436, %get3A_463 : vector<16xf32>
          %exp3A_465 = math.exp %get3A_463 : vector<16xf32>
          %add3A_466 = arith.addf %add3A_438, %exp3A_465 : vector<16xf32>
          %add3A_467 = arith.constant 640 : i32
          %add3A_468 = arith.addi %mul3A_189, %add3A_467 : i32
          %get3A_469 = arith.index_cast %add3A_468 : i32 to index
          %get3A_470 = tpu.vector_load %arg5[%get3A_469] {strides = array<i32>} : memref<100000xf32, #tpu.memory_space<vmem>>, vector<16xf32>,
          %max3A_471 = arith.maximumf %max3A_443, %get3A_470 : vector<16xf32>
          %exp3A_472 = math.exp %get3A_470 : vector<16xf32>
          %add3A_473 = arith.addf %add3A_445, %exp3A_472 : vector<16xf32>
          %add3A_474 = arith.constant 656 : i32
          %add3A_475 = arith.addi %mul3A_189, %add3A_474 : i32
          %get3A_476 = arith.index_cast %add3A_475 : i32 to index
          %get3A_477 = tpu.vector_load %arg5[%get3A_476] {strides = array<i32>} : memref<100000xf32, #tpu.memory_space<vmem>>, vector<16xf32>,
          %max3A_478 = arith.maximumf %max3A_450, %get3A_477 : vector<16xf32>
          %exp3A_479 = math.exp %get3A_477 : vector<16xf32>
          %add3A_480 = arith.addf %add3A_452, %exp3A_479 : vector<16xf32>
          %add3A_481 = arith.constant 672 : i32
          %add3A_482 = arith.addi %mul3A_189, %add3A_481 : i32
          %get3A_483 = arith.index_cast %add3A_482 : i32 to index
          %get3A_484 = tpu.vector_load %arg5[%get3A_483] {strides = array<i32>} : memref<100000xf32, #tpu.memory_space<vmem>>, vector<16xf32>,
          %max3A_485 = arith.maximumf %max3A_457, %get3A_484 : vector<16xf32>
          %exp3A_486 = math.exp %get3A_484 : vector<16xf32>
          %add3A_487 = arith.addf %add3A_459, %exp3A_486 : vector<16xf32>
          %add3A_488 = arith.constant 688 : i32
          %add3A_489 = arith.addi %mul3A_189, %add3A_488 : i32
          %get3A_490 = arith.index_cast %add3A_489 : i32 to index
          %get3A_491 = tpu.vector_load %arg5[%get3A_490] {strides = array<i32>} : memref<100000xf32, #tpu.memory_space<vmem>>, vector<16xf32>,
          %max3A_492 = arith.maximumf %max3A_464, %get3A_491 : vector<16xf32>
          %exp3A_493 = math.exp %get3A_491 : vector<16xf32>
          %add3A_494 = arith.addf %add3A_466, %exp3A_493 : vector<16xf32>
          %add3A_495 = arith.constant 704 : i32
          %add3A_496 = arith.addi %mul3A_189, %add3A_495 : i32
          %get3A_497 = arith.index_cast %add3A_496 : i32 to index
          %get3A_498 = tpu.vector_load %arg5[%get3A_497] {strides = array<i32>} : memref<100000xf32, #tpu.memory_space<vmem>>, vector<16xf32>,
          %max3A_499 = arith.maximumf %max3A_471, %get3A_498 : vector<16xf32>
          %exp3A_500 = math.exp %get3A_498 : vector<16xf32>
          %add3A_501 = arith.addf %add3A_473, %exp3A_500 : vector<16xf32>
          %add3A_502 = arith.constant 720 : i32
          %add3A_503 = arith.addi %mul3A_189, %add3A_502 : i32
          %get3A_504 = arith.index_cast %add3A_503 : i32 to index
          %get3A_505 = tpu.vector_load %arg5[%get3A_504] {strides = array<i32>} : memref<100000xf32, #tpu.memory_space<vmem>>, vector<16xf32>,
          %max3A_506 = arith.maximumf %max3A_478, %get3A_505 : vector<16xf32>
          %exp3A_507 = math.exp %get3A_505 : vector<16xf32>
          %add3A_508 = arith.addf %add3A_480, %exp3A_507 : vector<16xf32>
          %add3A_509 = arith.constant 736 : i32
          %add3A_510 = arith.addi %mul3A_189, %add3A_509 : i32
          %get3A_511 = arith.index_cast %add3A_510 : i32 to index
          %get3A_512 = tpu.vector_load %arg5[%get3A_511] {strides = array<i32>} : memref<100000xf32, #tpu.memory_space<vmem>>, vector<16xf32>,
          %max3A_513 = arith.maximumf %max3A_485, %get3A_512 : vector<16xf32>
          %exp3A_514 = math.exp %get3A_512 : vector<16xf32>
          %add3A_515 = arith.addf %add3A_487, %exp3A_514 : vector<16xf32>
          %add3A_516 = arith.constant 752 : i32
          %add3A_517 = arith.addi %mul3A_189, %add3A_516 : i32
          %get3A_518 = arith.index_cast %add3A_517 : i32 to index
          %get3A_519 = tpu.vector_load %arg5[%get3A_518] {strides = array<i32>} : memref<100000xf32, #tpu.memory_space<vmem>>, vector<16xf32>,
          %max3A_520 = arith.maximumf %max3A_492, %get3A_519 : vector<16xf32>
          %exp3A_521 = math.exp %get3A_519 : vector<16xf32>
          %add3A_522 = arith.addf %add3A_494, %exp3A_521 : vector<16xf32>
          %add3A_523 = arith.constant 768 : i32
          %add3A_524 = arith.addi %mul3A_189, %add3A_523 : i32
          %get3A_525 = arith.index_cast %add3A_524 : i32 to index
          %get3A_526 = tpu.vector_load %arg5[%get3A_525] {strides = array<i32>} : memref<100000xf32, #tpu.memory_space<vmem>>, vector<16xf32>,
          %max3A_527 = arith.maximumf %max3A_499, %get3A_526 : vector<16xf32>
          %exp3A_528 = math.exp %get3A_526 : vector<16xf32>
          %add3A_529 = arith.addf %add3A_501, %exp3A_528 : vector<16xf32>
          %add3A_530 = arith.constant 784 : i32
          %add3A_531 = arith.addi %mul3A_189, %add3A_530 : i32
          %get3A_532 = arith.index_cast %add3A_531 : i32 to index
          %get3A_533 = tpu.vector_load %arg5[%get3A_532] {strides = array<i32>} : memref<100000xf32, #tpu.memory_space<vmem>>, vector<16xf32>,
          %max3A_534 = arith.maximumf %max3A_506, %get3A_533 : vector<16xf32>
          %exp3A_535 = math.exp %get3A_533 : vector<16xf32>
          %add3A_536 = arith.addf %add3A_508, %exp3A_535 : vector<16xf32>
          %max3A_537 = arith.maximumf %max3A_527, %max3A_534 : vector<16xf32>
          %max3A_538 = arith.maximumf %max3A_513, %max3A_520 : vector<16xf32>
          %max3A_539 = arith.maximumf %max3A_537, %max3A_538 : vector<16xf32>
          %mul3A_540 = arith.constant 16 : i32
          %mul3A_541 = arith.muli %while3A_182, %mul3A_540 : i32
          %swap3A_542 = arith.index_cast %mul3A_541 : i32 to index
          %swap3A_543 = tpu.vector_load %arg7[%swap3A_542] {strides = array<i32>} : memref<2000xf32, #tpu.memory_space<vmem>>, vector<16xf32>,
          tpu.vector_store %arg7[%swap3A_542], %max3A_539 {strides = array<i32>} : memref<2000xf32, #tpu.memory_space<vmem>>, vector<16xf32>,
          %max3A_544 = arith.maximumf %while3A_187, %max3A_539 : vector<16xf32>
          scf.yield %add3A_529, %add3A_536, %add3A_515, %add3A_522, %max3A_544 : vector<16xf32>, vector<16xf32>, vector<16xf32>, vector<16xf32>, vector<16xf32>
        }
        %while3A_180 = arith.constant 1 : i32
        %while3A_181:5 = scf.for %while3A_182 = %while3A_177 to %while3A_173 step %while3A_180 iter_args(%while3A_183 = %while3A_179#0, %while3A_184 = %while3A_179#1, %while3A_185 = %while3A_179#2, %while3A_186 = %while3A_179#3, %while3A_187 = %while3A_179#4) -> (vector<16xf32>, vector<16xf32>, vector<16xf32>, vector<16xf32>, vector<16xf32>)  : i32 {
          %mul3A_188 = arith.constant 800 : i32
          %mul3A_189 = arith.muli %while3A_182, %mul3A_188 : i32
          %add3A_190 = arith.constant 0 : i32
          %add3A_191 = arith.addi %mul3A_189, %add3A_190 : i32
          %get3A = arith.index_cast %add3A_191 : i32 to index
          %get3A_192 = tpu.vector_load %arg5[%get3A] {strides = array<i32>} : memref<100000xf32, #tpu.memory_space<vmem>>, vector<16xf32>,
          %max3A = arith.maximumf %broadcast_in_dim3A_1, %get3A_192 : vector<16xf32>
          %exp3A = math.exp %get3A_192 : vector<16xf32>
          %add3A_193 = arith.addf %while3A_183, %exp3A : vector<16xf32>
          %add3A_194 = arith.constant 16 : i32
          %add3A_195 = arith.addi %mul3A_189, %add3A_194 : i32
          %get3A_196 = arith.index_cast %add3A_195 : i32 to index
          %get3A_197 = tpu.vector_load %arg5[%get3A_196] {strides = array<i32>} : memref<100000xf32, #tpu.memory_space<vmem>>, vector<16xf32>,
          %max3A_198 = arith.maximumf %broadcast_in_dim3A_1, %get3A_197 : vector<16xf32>
          %exp3A_199 = math.exp %get3A_197 : vector<16xf32>
          %add3A_200 = arith.addf %while3A_184, %exp3A_199 : vector<16xf32>
          %add3A_201 = arith.constant 32 : i32
          %add3A_202 = arith.addi %mul3A_189, %add3A_201 : i32
          %get3A_203 = arith.index_cast %add3A_202 : i32 to index
          %get3A_204 = tpu.vector_load %arg5[%get3A_203] {strides = array<i32>} : memref<100000xf32, #tpu.memory_space<vmem>>, vector<16xf32>,
          %max3A_205 = arith.maximumf %broadcast_in_dim3A_1, %get3A_204 : vector<16xf32>
          %exp3A_206 = math.exp %get3A_204 : vector<16xf32>
          %add3A_207 = arith.addf %while3A_185, %exp3A_206 : vector<16xf32>
          %add3A_208 = arith.constant 48 : i32
          %add3A_209 = arith.addi %mul3A_189, %add3A_208 : i32
          %get3A_210 = arith.index_cast %add3A_209 : i32 to index
          %get3A_211 = tpu.vector_load %arg5[%get3A_210] {strides = array<i32>} : memref<100000xf32, #tpu.memory_space<vmem>>, vector<16xf32>,
          %max3A_212 = arith.maximumf %broadcast_in_dim3A_1, %get3A_211 : vector<16xf32>
          %exp3A_213 = math.exp %get3A_211 : vector<16xf32>
          %add3A_214 = arith.addf %while3A_186, %exp3A_213 : vector<16xf32>
          %add3A_215 = arith.constant 64 : i32
          %add3A_216 = arith.addi %mul3A_189, %add3A_215 : i32
          %get3A_217 = arith.index_cast %add3A_216 : i32 to index
          %get3A_218 = tpu.vector_load %arg5[%get3A_217] {strides = array<i32>} : memref<100000xf32, #tpu.memory_space<vmem>>, vector<16xf32>,
          %max3A_219 = arith.maximumf %max3A, %get3A_218 : vector<16xf32>
          %exp3A_220 = math.exp %get3A_218 : vector<16xf32>
          %add3A_221 = arith.addf %add3A_193, %exp3A_220 : vector<16xf32>
          %add3A_222 = arith.constant 80 : i32
          %add3A_223 = arith.addi %mul3A_189, %add3A_222 : i32
          %get3A_224 = arith.index_cast %add3A_223 : i32 to index
          %get3A_225 = tpu.vector_load %arg5[%get3A_224] {strides = array<i32>} : memref<100000xf32, #tpu.memory_space<vmem>>, vector<16xf32>,
          %max3A_226 = arith.maximumf %max3A_198, %get3A_225 : vector<16xf32>
          %exp3A_227 = math.exp %get3A_225 : vector<16xf32>
          %add3A_228 = arith.addf %add3A_200, %exp3A_227 : vector<16xf32>
          %add3A_229 = arith.constant 96 : i32
          %add3A_230 = arith.addi %mul3A_189, %add3A_229 : i32
          %get3A_231 = arith.index_cast %add3A_230 : i32 to index
          %get3A_232 = tpu.vector_load %arg5[%get3A_231] {strides = array<i32>} : memref<100000xf32, #tpu.memory_space<vmem>>, vector<16xf32>,
          %max3A_233 = arith.maximumf %max3A_205, %get3A_232 : vector<16xf32>
          %exp3A_234 = math.exp %get3A_232 : vector<16xf32>
          %add3A_235 = arith.addf %add3A_207, %exp3A_234 : vector<16xf32>
          %add3A_236 = arith.constant 112 : i32
          %add3A_237 = arith.addi %mul3A_189, %add3A_236 : i32
          %get3A_238 = arith.index_cast %add3A_237 : i32 to index
          %get3A_239 = tpu.vector_load %arg5[%get3A_238] {strides = array<i32>} : memref<100000xf32, #tpu.memory_space<vmem>>, vector<16xf32>,
          %max3A_240 = arith.maximumf %max3A_212, %get3A_239 : vector<16xf32>
          %exp3A_241 = math.exp %get3A_239 : vector<16xf32>
          %add3A_242 = arith.addf %add3A_214, %exp3A_241 : vector<16xf32>
          %add3A_243 = arith.constant 128 : i32
          %add3A_244 = arith.addi %mul3A_189, %add3A_243 : i32
          %get3A_245 = arith.index_cast %add3A_244 : i32 to index
          %get3A_246 = tpu.vector_load %arg5[%get3A_245] {strides = array<i32>} : memref<100000xf32, #tpu.memory_space<vmem>>, vector<16xf32>,
          %max3A_247 = arith.maximumf %max3A_219, %get3A_246 : vector<16xf32>
          %exp3A_248 = math.exp %get3A_246 : vector<16xf32>
          %add3A_249 = arith.addf %add3A_221, %exp3A_248 : vector<16xf32>
          %add3A_250 = arith.constant 144 : i32
          %add3A_251 = arith.addi %mul3A_189, %add3A_250 : i32
          %get3A_252 = arith.index_cast %add3A_251 : i32 to index
          %get3A_253 = tpu.vector_load %arg5[%get3A_252] {strides = array<i32>} : memref<100000xf32, #tpu.memory_space<vmem>>, vector<16xf32>,
          %max3A_254 = arith.maximumf %max3A_226, %get3A_253 : vector<16xf32>
          %exp3A_255 = math.exp %get3A_253 : vector<16xf32>
          %add3A_256 = arith.addf %add3A_228, %exp3A_255 : vector<16xf32>
          %add3A_257 = arith.constant 160 : i32
          %add3A_258 = arith.addi %mul3A_189, %add3A_257 : i32
          %get3A_259 = arith.index_cast %add3A_258 : i32 to index
          %get3A_260 = tpu.vector_load %arg5[%get3A_259] {strides = array<i32>} : memref<100000xf32, #tpu.memory_space<vmem>>, vector<16xf32>,
          %max3A_261 = arith.maximumf %max3A_233, %get3A_260 : vector<16xf32>
          %exp3A_262 = math.exp %get3A_260 : vector<16xf32>
          %add3A_263 = arith.addf %add3A_235, %exp3A_262 : vector<16xf32>
          %add3A_264 = arith.constant 176 : i32
          %add3A_265 = arith.addi %mul3A_189, %add3A_264 : i32
          %get3A_266 = arith.index_cast %add3A_265 : i32 to index
          %get3A_267 = tpu.vector_load %arg5[%get3A_266] {strides = array<i32>} : memref<100000xf32, #tpu.memory_space<vmem>>, vector<16xf32>,
          %max3A_268 = arith.maximumf %max3A_240, %get3A_267 : vector<16xf32>
          %exp3A_269 = math.exp %get3A_267 : vector<16xf32>
          %add3A_270 = arith.addf %add3A_242, %exp3A_269 : vector<16xf32>
          %add3A_271 = arith.constant 192 : i32
          %add3A_272 = arith.addi %mul3A_189, %add3A_271 : i32
          %get3A_273 = arith.index_cast %add3A_272 : i32 to index
          %get3A_274 = tpu.vector_load %arg5[%get3A_273] {strides = array<i32>} : memref<100000xf32, #tpu.memory_space<vmem>>, vector<16xf32>,
          %max3A_275 = arith.maximumf %max3A_247, %get3A_274 : vector<16xf32>
          %exp3A_276 = math.exp %get3A_274 : vector<16xf32>
          %add3A_277 = arith.addf %add3A_249, %exp3A_276 : vector<16xf32>
          %add3A_278 = arith.constant 208 : i32
          %add3A_279 = arith.addi %mul3A_189, %add3A_278 : i32
          %get3A_280 = arith.index_cast %add3A_279 : i32 to index
          %get3A_281 = tpu.vector_load %arg5[%get3A_280] {strides = array<i32>} : memref<100000xf32, #tpu.memory_space<vmem>>, vector<16xf32>,
          %max3A_282 = arith.maximumf %max3A_254, %get3A_281 : vector<16xf32>
          %exp3A_283 = math.exp %get3A_281 : vector<16xf32>
          %add3A_284 = arith.addf %add3A_256, %exp3A_283 : vector<16xf32>
          %add3A_285 = arith.constant 224 : i32
          %add3A_286 = arith.addi %mul3A_189, %add3A_285 : i32
          %get3A_287 = arith.index_cast %add3A_286 : i32 to index
          %get3A_288 = tpu.vector_load %arg5[%get3A_287] {strides = array<i32>} : memref<100000xf32, #tpu.memory_space<vmem>>, vector<16xf32>,
          %max3A_289 = arith.maximumf %max3A_261, %get3A_288 : vector<16xf32>
          %exp3A_290 = math.exp %get3A_288 : vector<16xf32>
          %add3A_291 = arith.addf %add3A_263, %exp3A_290 : vector<16xf32>
          %add3A_292 = arith.constant 240 : i32
          %add3A_293 = arith.addi %mul3A_189, %add3A_292 : i32
          %get3A_294 = arith.index_cast %add3A_293 : i32 to index
          %get3A_295 = tpu.vector_load %arg5[%get3A_294] {strides = array<i32>} : memref<100000xf32, #tpu.memory_space<vmem>>, vector<16xf32>,
          %max3A_296 = arith.maximumf %max3A_268, %get3A_295 : vector<16xf32>
          %exp3A_297 = math.exp %get3A_295 : vector<16xf32>
          %add3A_298 = arith.addf %add3A_270, %exp3A_297 : vector<16xf32>
          %add3A_299 = arith.constant 256 : i32
          %add3A_300 = arith.addi %mul3A_189, %add3A_299 : i32
          %get3A_301 = arith.index_cast %add3A_300 : i32 to index
          %get3A_302 = tpu.vector_load %arg5[%get3A_301] {strides = array<i32>} : memref<100000xf32, #tpu.memory_space<vmem>>, vector<16xf32>,
          %max3A_303 = arith.maximumf %max3A_275, %get3A_302 : vector<16xf32>
          %exp3A_304 = math.exp %get3A_302 : vector<16xf32>
          %add3A_305 = arith.addf %add3A_277, %exp3A_304 : vector<16xf32>
          %add3A_306 = arith.constant 272 : i32
          %add3A_307 = arith.addi %mul3A_189, %add3A_306 : i32
          %get3A_308 = arith.index_cast %add3A_307 : i32 to index
          %get3A_309 = tpu.vector_load %arg5[%get3A_308] {strides = array<i32>} : memref<100000xf32, #tpu.memory_space<vmem>>, vector<16xf32>,
          %max3A_310 = arith.maximumf %max3A_282, %get3A_309 : vector<16xf32>
          %exp3A_311 = math.exp %get3A_309 : vector<16xf32>
          %add3A_312 = arith.addf %add3A_284, %exp3A_311 : vector<16xf32>
          %add3A_313 = arith.constant 288 : i32
          %add3A_314 = arith.addi %mul3A_189, %add3A_313 : i32
          %get3A_315 = arith.index_cast %add3A_314 : i32 to index
          %get3A_316 = tpu.vector_load %arg5[%get3A_315] {strides = array<i32>} : memref<100000xf32, #tpu.memory_space<vmem>>, vector<16xf32>,
          %max3A_317 = arith.maximumf %max3A_289, %get3A_316 : vector<16xf32>
          %exp3A_318 = math.exp %get3A_316 : vector<16xf32>
          %add3A_319 = arith.addf %add3A_291, %exp3A_318 : vector<16xf32>
          %add3A_320 = arith.constant 304 : i32
          %add3A_321 = arith.addi %mul3A_189, %add3A_320 : i32
          %get3A_322 = arith.index_cast %add3A_321 : i32 to index
          %get3A_323 = tpu.vector_load %arg5[%get3A_322] {strides = array<i32>} : memref<100000xf32, #tpu.memory_space<vmem>>, vector<16xf32>,
          %max3A_324 = arith.maximumf %max3A_296, %get3A_323 : vector<16xf32>
          %exp3A_325 = math.exp %get3A_323 : vector<16xf32>
          %add3A_326 = arith.addf %add3A_298, %exp3A_325 : vector<16xf32>
          %add3A_327 = arith.constant 320 : i32
          %add3A_328 = arith.addi %mul3A_189, %add3A_327 : i32
          %get3A_329 = arith.index_cast %add3A_328 : i32 to index
          %get3A_330 = tpu.vector_load %arg5[%get3A_329] {strides = array<i32>} : memref<100000xf32, #tpu.memory_space<vmem>>, vector<16xf32>,
          %max3A_331 = arith.maximumf %max3A_303, %get3A_330 : vector<16xf32>
          %exp3A_332 = math.exp %get3A_330 : vector<16xf32>
          %add3A_333 = arith.addf %add3A_305, %exp3A_332 : vector<16xf32>
          %add3A_334 = arith.constant 336 : i32
          %add3A_335 = arith.addi %mul3A_189, %add3A_334 : i32
          %get3A_336 = arith.index_cast %add3A_335 : i32 to index
          %get3A_337 = tpu.vector_load %arg5[%get3A_336] {strides = array<i32>} : memref<100000xf32, #tpu.memory_space<vmem>>, vector<16xf32>,
          %max3A_338 = arith.maximumf %max3A_310, %get3A_337 : vector<16xf32>
          %exp3A_339 = math.exp %get3A_337 : vector<16xf32>
          %add3A_340 = arith.addf %add3A_312, %exp3A_339 : vector<16xf32>
          %add3A_341 = arith.constant 352 : i32
          %add3A_342 = arith.addi %mul3A_189, %add3A_341 : i32
          %get3A_343 = arith.index_cast %add3A_342 : i32 to index
          %get3A_344 = tpu.vector_load %arg5[%get3A_343] {strides = array<i32>} : memref<100000xf32, #tpu.memory_space<vmem>>, vector<16xf32>,
          %max3A_345 = arith.maximumf %max3A_317, %get3A_344 : vector<16xf32>
          %exp3A_346 = math.exp %get3A_344 : vector<16xf32>
          %add3A_347 = arith.addf %add3A_319, %exp3A_346 : vector<16xf32>
          %add3A_348 = arith.constant 368 : i32
          %add3A_349 = arith.addi %mul3A_189, %add3A_348 : i32
          %get3A_350 = arith.index_cast %add3A_349 : i32 to index
          %get3A_351 = tpu.vector_load %arg5[%get3A_350] {strides = array<i32>} : memref<100000xf32, #tpu.memory_space<vmem>>, vector<16xf32>,
          %max3A_352 = arith.maximumf %max3A_324, %get3A_351 : vector<16xf32>
          %exp3A_353 = math.exp %get3A_351 : vector<16xf32>
          %add3A_354 = arith.addf %add3A_326, %exp3A_353 : vector<16xf32>
          %add3A_355 = arith.constant 384 : i32
          %add3A_356 = arith.addi %mul3A_189, %add3A_355 : i32
          %get3A_357 = arith.index_cast %add3A_356 : i32 to index
          %get3A_358 = tpu.vector_load %arg5[%get3A_357] {strides = array<i32>} : memref<100000xf32, #tpu.memory_space<vmem>>, vector<16xf32>,
          %max3A_359 = arith.maximumf %max3A_331, %get3A_358 : vector<16xf32>
          %exp3A_360 = math.exp %get3A_358 : vector<16xf32>
          %add3A_361 = arith.addf %add3A_333, %exp3A_360 : vector<16xf32>
          %add3A_362 = arith.constant 400 : i32
          %add3A_363 = arith.addi %mul3A_189, %add3A_362 : i32
          %get3A_364 = arith.index_cast %add3A_363 : i32 to index
          %get3A_365 = tpu.vector_load %arg5[%get3A_364] {strides = array<i32>} : memref<100000xf32, #tpu.memory_space<vmem>>, vector<16xf32>,
          %max3A_366 = arith.maximumf %max3A_338, %get3A_365 : vector<16xf32>
          %exp3A_367 = math.exp %get3A_365 : vector<16xf32>
          %add3A_368 = arith.addf %add3A_340, %exp3A_367 : vector<16xf32>
          %add3A_369 = arith.constant 416 : i32
          %add3A_370 = arith.addi %mul3A_189, %add3A_369 : i32
          %get3A_371 = arith.index_cast %add3A_370 : i32 to index
          %get3A_372 = tpu.vector_load %arg5[%get3A_371] {strides = array<i32>} : memref<100000xf32, #tpu.memory_space<vmem>>, vector<16xf32>,
          %max3A_373 = arith.maximumf %max3A_345, %get3A_372 : vector<16xf32>
          %exp3A_374 = math.exp %get3A_372 : vector<16xf32>
          %add3A_375 = arith.addf %add3A_347, %exp3A_374 : vector<16xf32>
          %add3A_376 = arith.constant 432 : i32
          %add3A_377 = arith.addi %mul3A_189, %add3A_376 : i32
          %get3A_378 = arith.index_cast %add3A_377 : i32 to index
          %get3A_379 = tpu.vector_load %arg5[%get3A_378] {strides = array<i32>} : memref<100000xf32, #tpu.memory_space<vmem>>, vector<16xf32>,
          %max3A_380 = arith.maximumf %max3A_352, %get3A_379 : vector<16xf32>
          %exp3A_381 = math.exp %get3A_379 : vector<16xf32>
          %add3A_382 = arith.addf %add3A_354, %exp3A_381 : vector<16xf32>
          %add3A_383 = arith.constant 448 : i32
          %add3A_384 = arith.addi %mul3A_189, %add3A_383 : i32
          %get3A_385 = arith.index_cast %add3A_384 : i32 to index
          %get3A_386 = tpu.vector_load %arg5[%get3A_385] {strides = array<i32>} : memref<100000xf32, #tpu.memory_space<vmem>>, vector<16xf32>,
          %max3A_387 = arith.maximumf %max3A_359, %get3A_386 : vector<16xf32>
          %exp3A_388 = math.exp %get3A_386 : vector<16xf32>
          %add3A_389 = arith.addf %add3A_361, %exp3A_388 : vector<16xf32>
          %add3A_390 = arith.constant 464 : i32
          %add3A_391 = arith.addi %mul3A_189, %add3A_390 : i32
          %get3A_392 = arith.index_cast %add3A_391 : i32 to index
          %get3A_393 = tpu.vector_load %arg5[%get3A_392] {strides = array<i32>} : memref<100000xf32, #tpu.memory_space<vmem>>, vector<16xf32>,
          %max3A_394 = arith.maximumf %max3A_366, %get3A_393 : vector<16xf32>
          %exp3A_395 = math.exp %get3A_393 : vector<16xf32>
          %add3A_396 = arith.addf %add3A_368, %exp3A_395 : vector<16xf32>
          %add3A_397 = arith.constant 480 : i32
          %add3A_398 = arith.addi %mul3A_189, %add3A_397 : i32
          %get3A_399 = arith.index_cast %add3A_398 : i32 to index
          %get3A_400 = tpu.vector_load %arg5[%get3A_399] {strides = array<i32>} : memref<100000xf32, #tpu.memory_space<vmem>>, vector<16xf32>,
          %max3A_401 = arith.maximumf %max3A_373, %get3A_400 : vector<16xf32>
          %exp3A_402 = math.exp %get3A_400 : vector<16xf32>
          %add3A_403 = arith.addf %add3A_375, %exp3A_402 : vector<16xf32>
          %add3A_404 = arith.constant 496 : i32
          %add3A_405 = arith.addi %mul3A_189, %add3A_404 : i32
          %get3A_406 = arith.index_cast %add3A_405 : i32 to index
          %get3A_407 = tpu.vector_load %arg5[%get3A_406] {strides = array<i32>} : memref<100000xf32, #tpu.memory_space<vmem>>, vector<16xf32>,
          %max3A_408 = arith.maximumf %max3A_380, %get3A_407 : vector<16xf32>
          %exp3A_409 = math.exp %get3A_407 : vector<16xf32>
          %add3A_410 = arith.addf %add3A_382, %exp3A_409 : vector<16xf32>
          %add3A_411 = arith.constant 512 : i32
          %add3A_412 = arith.addi %mul3A_189, %add3A_411 : i32
          %get3A_413 = arith.index_cast %add3A_412 : i32 to index
          %get3A_414 = tpu.vector_load %arg5[%get3A_413] {strides = array<i32>} : memref<100000xf32, #tpu.memory_space<vmem>>, vector<16xf32>,
          %max3A_415 = arith.maximumf %max3A_387, %get3A_414 : vector<16xf32>
          %exp3A_416 = math.exp %get3A_414 : vector<16xf32>
          %add3A_417 = arith.addf %add3A_389, %exp3A_416 : vector<16xf32>
          %add3A_418 = arith.constant 528 : i32
          %add3A_419 = arith.addi %mul3A_189, %add3A_418 : i32
          %get3A_420 = arith.index_cast %add3A_419 : i32 to index
          %get3A_421 = tpu.vector_load %arg5[%get3A_420] {strides = array<i32>} : memref<100000xf32, #tpu.memory_space<vmem>>, vector<16xf32>,
          %max3A_422 = arith.maximumf %max3A_394, %get3A_421 : vector<16xf32>
          %exp3A_423 = math.exp %get3A_421 : vector<16xf32>
          %add3A_424 = arith.addf %add3A_396, %exp3A_423 : vector<16xf32>
          %add3A_425 = arith.constant 544 : i32
          %add3A_426 = arith.addi %mul3A_189, %add3A_425 : i32
          %get3A_427 = arith.index_cast %add3A_426 : i32 to index
          %get3A_428 = tpu.vector_load %arg5[%get3A_427] {strides = array<i32>} : memref<100000xf32, #tpu.memory_space<vmem>>, vector<16xf32>,
          %max3A_429 = arith.maximumf %max3A_401, %get3A_428 : vector<16xf32>
          %exp3A_430 = math.exp %get3A_428 : vector<16xf32>
          %add3A_431 = arith.addf %add3A_403, %exp3A_430 : vector<16xf32>
          %add3A_432 = arith.constant 560 : i32
          %add3A_433 = arith.addi %mul3A_189, %add3A_432 : i32
          %get3A_434 = arith.index_cast %add3A_433 : i32 to index
          %get3A_435 = tpu.vector_load %arg5[%get3A_434] {strides = array<i32>} : memref<100000xf32, #tpu.memory_space<vmem>>, vector<16xf32>,
          %max3A_436 = arith.maximumf %max3A_408, %get3A_435 : vector<16xf32>
          %exp3A_437 = math.exp %get3A_435 : vector<16xf32>
          %add3A_438 = arith.addf %add3A_410, %exp3A_437 : vector<16xf32>
          %add3A_439 = arith.constant 576 : i32
          %add3A_440 = arith.addi %mul3A_189, %add3A_439 : i32
          %get3A_441 = arith.index_cast %add3A_440 : i32 to index
          %get3A_442 = tpu.vector_load %arg5[%get3A_441] {strides = array<i32>} : memref<100000xf32, #tpu.memory_space<vmem>>, vector<16xf32>,
          %max3A_443 = arith.maximumf %max3A_415, %get3A_442 : vector<16xf32>
          %exp3A_444 = math.exp %get3A_442 : vector<16xf32>
          %add3A_445 = arith.addf %add3A_417, %exp3A_444 : vector<16xf32>
          %add3A_446 = arith.constant 592 : i32
          %add3A_447 = arith.addi %mul3A_189, %add3A_446 : i32
          %get3A_448 = arith.index_cast %add3A_447 : i32 to index
          %get3A_449 = tpu.vector_load %arg5[%get3A_448] {strides = array<i32>} : memref<100000xf32, #tpu.memory_space<vmem>>, vector<16xf32>,
          %max3A_450 = arith.maximumf %max3A_422, %get3A_449 : vector<16xf32>
          %exp3A_451 = math.exp %get3A_449 : vector<16xf32>
          %add3A_452 = arith.addf %add3A_424, %exp3A_451 : vector<16xf32>
          %add3A_453 = arith.constant 608 : i32
          %add3A_454 = arith.addi %mul3A_189, %add3A_453 : i32
          %get3A_455 = arith.index_cast %add3A_454 : i32 to index
          %get3A_456 = tpu.vector_load %arg5[%get3A_455] {strides = array<i32>} : memref<100000xf32, #tpu.memory_space<vmem>>, vector<16xf32>,
          %max3A_457 = arith.maximumf %max3A_429, %get3A_456 : vector<16xf32>
          %exp3A_458 = math.exp %get3A_456 : vector<16xf32>
          %add3A_459 = arith.addf %add3A_431, %exp3A_458 : vector<16xf32>
          %add3A_460 = arith.constant 624 : i32
          %add3A_461 = arith.addi %mul3A_189, %add3A_460 : i32
          %get3A_462 = arith.index_cast %add3A_461 : i32 to index
          %get3A_463 = tpu.vector_load %arg5[%get3A_462] {strides = array<i32>} : memref<100000xf32, #tpu.memory_space<vmem>>, vector<16xf32>,
          %max3A_464 = arith.maximumf %max3A_436, %get3A_463 : vector<16xf32>
          %exp3A_465 = math.exp %get3A_463 : vector<16xf32>
          %add3A_466 = arith.addf %add3A_438, %exp3A_465 : vector<16xf32>
          %add3A_467 = arith.constant 640 : i32
          %add3A_468 = arith.addi %mul3A_189, %add3A_467 : i32
          %get3A_469 = arith.index_cast %add3A_468 : i32 to index
          %get3A_470 = tpu.vector_load %arg5[%get3A_469] {strides = array<i32>} : memref<100000xf32, #tpu.memory_space<vmem>>, vector<16xf32>,
          %max3A_471 = arith.maximumf %max3A_443, %get3A_470 : vector<16xf32>
          %exp3A_472 = math.exp %get3A_470 : vector<16xf32>
          %add3A_473 = arith.addf %add3A_445, %exp3A_472 : vector<16xf32>
          %add3A_474 = arith.constant 656 : i32
          %add3A_475 = arith.addi %mul3A_189, %add3A_474 : i32
          %get3A_476 = arith.index_cast %add3A_475 : i32 to index
          %get3A_477 = tpu.vector_load %arg5[%get3A_476] {strides = array<i32>} : memref<100000xf32, #tpu.memory_space<vmem>>, vector<16xf32>,
          %max3A_478 = arith.maximumf %max3A_450, %get3A_477 : vector<16xf32>
          %exp3A_479 = math.exp %get3A_477 : vector<16xf32>
          %add3A_480 = arith.addf %add3A_452, %exp3A_479 : vector<16xf32>
          %add3A_481 = arith.constant 672 : i32
          %add3A_482 = arith.addi %mul3A_189, %add3A_481 : i32
          %get3A_483 = arith.index_cast %add3A_482 : i32 to index
          %get3A_484 = tpu.vector_load %arg5[%get3A_483] {strides = array<i32>} : memref<100000xf32, #tpu.memory_space<vmem>>, vector<16xf32>,
          %max3A_485 = arith.maximumf %max3A_457, %get3A_484 : vector<16xf32>
          %exp3A_486 = math.exp %get3A_484 : vector<16xf32>
          %add3A_487 = arith.addf %add3A_459, %exp3A_486 : vector<16xf32>
          %add3A_488 = arith.constant 688 : i32
          %add3A_489 = arith.addi %mul3A_189, %add3A_488 : i32
          %get3A_490 = arith.index_cast %add3A_489 : i32 to index
          %get3A_491 = tpu.vector_load %arg5[%get3A_490] {strides = array<i32>} : memref<100000xf32, #tpu.memory_space<vmem>>, vector<16xf32>,
          %max3A_492 = arith.maximumf %max3A_464, %get3A_491 : vector<16xf32>
          %exp3A_493 = math.exp %get3A_491 : vector<16xf32>
          %add3A_494 = arith.addf %add3A_466, %exp3A_493 : vector<16xf32>
          %add3A_495 = arith.constant 704 : i32
          %add3A_496 = arith.addi %mul3A_189, %add3A_495 : i32
          %get3A_497 = arith.index_cast %add3A_496 : i32 to index
          %get3A_498 = tpu.vector_load %arg5[%get3A_497] {strides = array<i32>} : memref<100000xf32, #tpu.memory_space<vmem>>, vector<16xf32>,
          %max3A_499 = arith.maximumf %max3A_471, %get3A_498 : vector<16xf32>
          %exp3A_500 = math.exp %get3A_498 : vector<16xf32>
          %add3A_501 = arith.addf %add3A_473, %exp3A_500 : vector<16xf32>
          %add3A_502 = arith.constant 720 : i32
          %add3A_503 = arith.addi %mul3A_189, %add3A_502 : i32
          %get3A_504 = arith.index_cast %add3A_503 : i32 to index
          %get3A_505 = tpu.vector_load %arg5[%get3A_504] {strides = array<i32>} : memref<100000xf32, #tpu.memory_space<vmem>>, vector<16xf32>,
          %max3A_506 = arith.maximumf %max3A_478, %get3A_505 : vector<16xf32>
          %exp3A_507 = math.exp %get3A_505 : vector<16xf32>
          %add3A_508 = arith.addf %add3A_480, %exp3A_507 : vector<16xf32>
          %add3A_509 = arith.constant 736 : i32
          %add3A_510 = arith.addi %mul3A_189, %add3A_509 : i32
          %get3A_511 = arith.index_cast %add3A_510 : i32 to index
          %get3A_512 = tpu.vector_load %arg5[%get3A_511] {strides = array<i32>} : memref<100000xf32, #tpu.memory_space<vmem>>, vector<16xf32>,
          %max3A_513 = arith.maximumf %max3A_485, %get3A_512 : vector<16xf32>
          %exp3A_514 = math.exp %get3A_512 : vector<16xf32>
          %add3A_515 = arith.addf %add3A_487, %exp3A_514 : vector<16xf32>
          %add3A_516 = arith.constant 752 : i32
          %add3A_517 = arith.addi %mul3A_189, %add3A_516 : i32
          %get3A_518 = arith.index_cast %add3A_517 : i32 to index
          %get3A_519 = tpu.vector_load %arg5[%get3A_518] {strides = array<i32>} : memref<100000xf32, #tpu.memory_space<vmem>>, vector<16xf32>,
          %max3A_520 = arith.maximumf %max3A_492, %get3A_519 : vector<16xf32>
          %exp3A_521 = math.exp %get3A_519 : vector<16xf32>
          %add3A_522 = arith.addf %add3A_494, %exp3A_521 : vector<16xf32>
          %add3A_523 = arith.constant 768 : i32
          %add3A_524 = arith.addi %mul3A_189, %add3A_523 : i32
          %get3A_525 = arith.index_cast %add3A_524 : i32 to index
          %get3A_526 = tpu.vector_load %arg5[%get3A_525] {strides = array<i32>} : memref<100000xf32, #tpu.memory_space<vmem>>, vector<16xf32>,
          %max3A_527 = arith.maximumf %max3A_499, %get3A_526 : vector<16xf32>
          %exp3A_528 = math.exp %get3A_526 : vector<16xf32>
          %add3A_529 = arith.addf %add3A_501, %exp3A_528 : vector<16xf32>
          %add3A_530 = arith.constant 784 : i32
          %add3A_531 = arith.addi %mul3A_189, %add3A_530 : i32
          %get3A_532 = arith.index_cast %add3A_531 : i32 to index
          %get3A_533 = tpu.vector_load %arg5[%get3A_532] {strides = array<i32>} : memref<100000xf32, #tpu.memory_space<vmem>>, vector<16xf32>,
          %max3A_534 = arith.maximumf %max3A_506, %get3A_533 : vector<16xf32>
          %exp3A_535 = math.exp %get3A_533 : vector<16xf32>
          %add3A_536 = arith.addf %add3A_508, %exp3A_535 : vector<16xf32>
          %max3A_537 = arith.maximumf %max3A_527, %max3A_534 : vector<16xf32>
          %max3A_538 = arith.maximumf %max3A_513, %max3A_520 : vector<16xf32>
          %max3A_539 = arith.maximumf %max3A_537, %max3A_538 : vector<16xf32>
          %mul3A_540 = arith.constant 16 : i32
          %mul3A_541 = arith.muli %while3A_182, %mul3A_540 : i32
          %swap3A_542 = arith.index_cast %mul3A_541 : i32 to index
          %swap3A_543 = tpu.vector_load %arg7[%swap3A_542] {strides = array<i32>} : memref<2000xf32, #tpu.memory_space<vmem>>, vector<16xf32>,
          tpu.vector_store %arg7[%swap3A_542], %max3A_539 {strides = array<i32>} : memref<2000xf32, #tpu.memory_space<vmem>>, vector<16xf32>,
          %max3A_544 = arith.maximumf %while3A_187, %max3A_539 : vector<16xf32>
          scf.yield %add3A_529, %add3A_536, %add3A_515, %add3A_522, %max3A_544 : vector<16xf32>, vector<16xf32>, vector<16xf32>, vector<16xf32>, vector<16xf32>
        }
        scf.yield %while3A_181#0, %while3A_181#1, %while3A_181#2, %while3A_181#3, %while3A_181#4 : vector<16xf32>, vector<16xf32>, vector<16xf32>, vector<16xf32>, vector<16xf32>
      }
      %scan3A_29 = arith.constant 16 : i32
      %reduce_max3A = arith.constant true
      %reduce_max3A_30 = vector.broadcast %reduce_max3A : i1 to vector<16xi1>
      %reduce_max3A_31 = tpu.scan <max>, %scan3A_28#4 masked %reduce_max3A_30 : vector<16xf32>, vector<16xi1> -> vector<16xf32>
      %reduce_max3A_32 = vector.extract %reduce_max3A_31[15] : f32 from vector<16xf32>
      %scan3A_33 = arith.constant 0 : i32
      %scan3A_34 = arith.constant 125 : i32
      %scan3A_35 = arith.addi %scan3A_33, %scan3A_34 : i32
      %scan3A_36 = arith.constant 1 : i32
      %scan3A_37 = scf.for %scan3A_139 = %scan3A_33 to %scan3A_35 step %scan3A_36 iter_args(%scan3A_140 = %broadcast_in_dim3A_3) -> (vector<16xi32>)  : i32 {
        %mul3A_141 = arith.constant 16 : i32
        %mul3A_142 = arith.muli %scan3A_139, %mul3A_141 : i32
        %get3A = arith.index_cast %mul3A_142 : i32 to index
        %get3A_143 = tpu.vector_load %arg7[%get3A] {strides = array<i32>} : memref<2000xf32, #tpu.memory_space<vmem>>, vector<16xf32>,
        %eq3A_144 = vector.broadcast %reduce_max3A_32 : f32 to vector<16xf32>
        %eq3A_145 = arith.cmpf oeq, %get3A_143, %eq3A_144 : vector<16xf32>
        %broadcast_in_dim3A_146 = vector.broadcast %scan3A_139 : i32 to vector<16xi32>
        %select_n3A_147 = arith.select %eq3A_145, %broadcast_in_dim3A_146, %broadcast_in_dim3A_3 : vector<16xi1>, vector<16xi32>
        %min3A = arith.minsi %scan3A_140, %select_n3A_147 : vector<16xi32>
        scf.yield %min3A : vector<16xi32>
      }
      %scan3A_38 = arith.constant 125 : i32
      %reduce_min3A = arith.constant true
      %reduce_min3A_39 = vector.broadcast %reduce_min3A : i1 to vector<16xi1>
      %reduce_min3A_40 = arith.constant -2147483648 : i32
      %reduce_min3A_41 = vector.broadcast %reduce_min3A_40 : i32 to vector<16xi32>
      %reduce_min3A_42 = arith.xori %scan3A_37, %reduce_min3A_41 : vector<16xi32>
      %reduce_min3A_43 = tpu.scan <min>, %reduce_min3A_42 masked %reduce_min3A_39 : vector<16xi32>, vector<16xi1> -> vector<16xi32>
      %reduce_min3A_44 = arith.xori %reduce_min3A_43, %reduce_min3A_41 : vector<16xi32>
      %reduce_min3A_45 = vector.extract %reduce_min3A_44[15] : i32 from vector<16xi32>
      %scan3A_46 = arith.constant 0 : i32
      %scan3A_47 = arith.constant 0 : i32
      %scan3A_48 = arith.constant 50 : i32
      %scan3A_49 = arith.addi %scan3A_47, %scan3A_48 : i32
      %scan3A_50 = arith.constant 1 : i32
      %scan3A_51 = scf.for %scan3A_139 = %scan3A_47 to %scan3A_49 step %scan3A_50 iter_args(%scan3A_140 = %scan3A_46) -> (i32)  : i32 {
        %mul3A_141 = arith.constant 800 : i32
        %mul3A_142 = arith.muli %reduce_min3A_45, %mul3A_141 : i32
        %mul3A_143 = arith.constant 16 : i32
        %mul3A_144 = arith.muli %scan3A_139, %mul3A_143 : i32
        %add3A_145 = arith.addi %mul3A_142, %mul3A_144 : i32
        %get3A = arith.index_cast %add3A_145 : i32 to index
        %get3A_146 = tpu.vector_load %arg5[%get3A] {strides = array<i32>} : memref<100000xf32, #tpu.memory_space<vmem>>, vector<16xf32>,
        %mul3A_147 = arith.constant 16 : i32
        %mul3A_148 = arith.muli %scan3A_139, %mul3A_147 : i32
        %swap3A_149 = arith.index_cast %mul3A_148 : i32 to index
        %swap3A_150 = tpu.vector_load %arg8[%swap3A_149] {strides = array<i32>} : memref<800xf32, #tpu.memory_space<vmem>>, vector<16xf32>,
        tpu.vector_store %arg8[%swap3A_149], %get3A_146 {strides = array<i32>} : memref<800xf32, #tpu.memory_space<vmem>>, vector<16xf32>,
        %scan3A_151 = arith.constant 0 : i32
        scf.yield %scan3A_151 : i32
      }
      %scan3A_52 = arith.constant 50 : i32
      %broadcast_in_dim3A_53 = vector.broadcast %add3A_21 : i32 to vector<16xi32>
      %gather3A = tpu.vector_load_idx %arg6[%broadcast_in_dim3A_53] : memref<64xi32, #tpu.memory_space<vmem>>[vector<16xi32>], vector<16xi32>,
      %gather3A_54 = tpu.vector_load_idx %arg5[%gather3A] : memref<100000xf32, #tpu.memory_space<vmem>>[vector<16xi32>], vector<16xf32>,
      %lt3A = arith.constant 1 : i32
      %lt3A_55 = arith.cmpi slt, %scan3A_17, %lt3A : i32
      %convert_element_type3A = arith.extui %lt3A_55 : i1 to i32
      %cond3A = arith.constant 0 : i32
      %cond3A_56 = arith.cmpi ne, %convert_element_type3A, %cond3A : i32
      scf.if %cond3A_56 {
        %add3A_139 = arith.constant 1 : i32
        %add3A_140 = arith.addi %add3A_21, %add3A_139 : i32
        %dma_start3A_141 = arith.constant 0 : i32
        %dma_start3A_142 = tpu.memref_slice %arg2[%add3A_140, %dma_start3A_141] : memref<64x100000xf32, #tpu.memory_space<hbm>> -> memref<1x100000xf32, #tpu.memory_space<hbm>>
        %dma_start3A_143 = tpu.memref_squeeze %dma_start3A_142 : memref<1x100000xf32, #tpu.memory_space<hbm>> -> memref<100000xf32, #tpu.memory_space<hbm>>
        %dma_start3A_144 = arith.constant 0 : i32
        %dma_start3A_145 = tpu.memref_slice %arg2[%add3A_140, %dma_start3A_144] : memref<64x100000xf32, #tpu.memory_space<hbm>> -> memref<1x100000xf32, #tpu.memory_space<hbm>>
        %dma_start3A_146 = tpu.memref_squeeze %dma_start3A_145 : memref<1x100000xf32, #tpu.memory_space<hbm>> -> memref<100000xf32, #tpu.memory_space<hbm>>
        tpu.enqueue_dma source(%dma_start3A_146 : memref<100000xf32, #tpu.memory_space<hbm>>) target(%arg5 : memref<100000xf32, #tpu.memory_space<vmem>>) target_semaphore(%arg10 : memref<!tpu.dma_semaphore, #tpu.memory_space<semaphore_mem>>)
      } else {
      }
      %scan3A_57 = arith.constant 0 : i32
      %scan3A_58 = arith.constant 50 : i32
      %scan3A_59 = arith.addi %scan3A_57, %scan3A_58 : i32
      %scan3A_60 = arith.constant 1 : i32
      %scan3A_61 = scf.for %scan3A_139 = %scan3A_57 to %scan3A_59 step %scan3A_60 iter_args(%scan3A_140 = %broadcast_in_dim3A_3) -> (vector<16xi32>)  : i32 {
        %mul3A_141 = arith.constant 16 : i32
        %mul3A_142 = arith.muli %scan3A_139, %mul3A_141 : i32
        %get3A = arith.index_cast %mul3A_142 : i32 to index
        %get3A_143 = tpu.vector_load %arg8[%get3A] {strides = array<i32>} : memref<800xf32, #tpu.memory_space<vmem>>, vector<16xf32>,
        %eq3A_144 = vector.broadcast %reduce_max3A_32 : f32 to vector<16xf32>
        %eq3A_145 = arith.cmpf oeq, %get3A_143, %eq3A_144 : vector<16xf32>
        %mul3A_146 = arith.constant 800 : i32
        %mul3A_147 = arith.muli %reduce_min3A_45, %mul3A_146 : i32
        %mul3A_148 = arith.constant 16 : i32
        %mul3A_149 = arith.muli %scan3A_139, %mul3A_148 : i32
        %add3A_150 = arith.addi %mul3A_147, %mul3A_149 : i32
        %add3A_151 = vector.broadcast %add3A_150 : i32 to vector<16xi32>
        %add3A_152 = arith.addi %add3A_151, %iota3A : vector<16xi32>
        %select_n3A_153 = arith.select %eq3A_145, %add3A_152, %broadcast_in_dim3A_3 : vector<16xi1>, vector<16xi32>
        %min3A = arith.minsi %scan3A_140, %select_n3A_153 : vector<16xi32>
        scf.yield %min3A : vector<16xi32>
      }
      %scan3A_62 = arith.constant 50 : i32
      %reduce_min3A_63 = arith.constant true
      %reduce_min3A_64 = vector.broadcast %reduce_min3A_63 : i1 to vector<16xi1>
      %reduce_min3A_65 = arith.constant -2147483648 : i32
      %reduce_min3A_66 = vector.broadcast %reduce_min3A_65 : i32 to vector<16xi32>
      %reduce_min3A_67 = arith.xori %scan3A_61, %reduce_min3A_66 : vector<16xi32>
      %reduce_min3A_68 = tpu.scan <min>, %reduce_min3A_67 masked %reduce_min3A_64 : vector<16xi32>, vector<16xi1> -> vector<16xi32>
      %reduce_min3A_69 = arith.xori %reduce_min3A_68, %reduce_min3A_66 : vector<16xi32>
      %reduce_min3A_70 = vector.extract %reduce_min3A_69[15] : i32 from vector<16xi32>
      %add3A_71 = arith.addf %scan3A_28#0, %scan3A_28#1 : vector<16xf32>
      %add3A_72 = arith.addf %scan3A_28#2, %scan3A_28#3 : vector<16xf32>
      %add3A_73 = arith.addf %add3A_71, %add3A_72 : vector<16xf32>
      %reduce_sum3A = arith.constant true
      %reduce_sum3A_74 = vector.broadcast %reduce_sum3A : i1 to vector<16xi1>
      %reduce_sum3A_75 = tpu.scan <sum>, %add3A_73 masked %reduce_sum3A_74 : vector<16xf32>, vector<16xi1> -> vector<16xf32>
      %reduce_sum3A_76 = vector.extract %reduce_sum3A_75[15] : f32 from vector<16xf32>
      %broadcast_in_dim3A_77 = vector.broadcast %reduce_sum3A_76 : f32 to vector<16xf32>
      %bitcast3A = vector.bitcast %broadcast_in_dim3A_77 : vector<16xf32> to vector<16xi32>
      %shift_right_arithmetic3A = arith.constant 23 : i32
      %shift_right_arithmetic3A_78 = vector.broadcast %shift_right_arithmetic3A : i32 to vector<16xi32>
      %shift_right_arithmetic3A_79 = arith.shrsi %bitcast3A, %shift_right_arithmetic3A_78 : vector<16xi32>
      %sub3A = arith.constant 127 : i32
      %sub3A_80 = vector.broadcast %sub3A : i32 to vector<16xi32>
      %sub3A_81 = arith.subi %shift_right_arithmetic3A_79, %sub3A_80 : vector<16xi32>
      %and3A = arith.constant 8388607 : i32
      %and3A_82 = vector.broadcast %and3A : i32 to vector<16xi32>
      %and3A_83 = arith.andi %bitcast3A, %and3A_82 : vector<16xi32>
      %or3A = arith.constant 1065353216 : i32
      %or3A_84 = vector.broadcast %or3A : i32 to vector<16xi32>
      %or3A_85 = arith.ori %and3A_83, %or3A_84 : vector<16xi32>
      %bitcast3A_86 = vector.bitcast %or3A_85 : vector<16xi32> to vector<16xf32>
      %gt3A = arith.constant 1.41421354 : f32
      %gt3A_87 = vector.broadcast %gt3A : f32 to vector<16xf32>
      %gt3A_88 = arith.cmpf ogt, %bitcast3A_86, %gt3A_87 : vector<16xf32>
      %mul3A_89 = arith.constant 5.000000e-01 : f32
      %mul3A_90 = vector.broadcast %mul3A_89 : f32 to vector<16xf32>
      %mul3A_91 = arith.mulf %bitcast3A_86, %mul3A_90 : vector<16xf32>
      %select_n3A = arith.select %gt3A_88, %mul3A_91, %bitcast3A_86 : vector<16xi1>, vector<16xf32>
      %jit3A = arith.constant 1 : i32
      %jit3A_92 = arith.constant 0 : i32
      %broadcast_in_dim3A_93 = vector.broadcast %jit3A : i32 to vector<16xi32>
      %broadcast_in_dim3A_94 = vector.broadcast %jit3A_92 : i32 to vector<16xi32>
      %select_n3A_95 = arith.select %gt3A_88, %broadcast_in_dim3A_93, %broadcast_in_dim3A_94 : vector<16xi1>, vector<16xi32>
      %add3A_96 = arith.addi %sub3A_81, %select_n3A_95 : vector<16xi32>
      %sub3A_97 = arith.constant 1.000000e+00 : f32
      %sub3A_98 = vector.broadcast %sub3A_97 : f32 to vector<16xf32>
      %sub3A_99 = arith.subf %select_n3A, %sub3A_98 : vector<16xf32>
      %add3A_100 = arith.constant 1.000000e+00 : f32
      %add3A_101 = vector.broadcast %add3A_100 : f32 to vector<16xf32>
      %add3A_102 = arith.addf %select_n3A, %add3A_101 : vector<16xf32>
      %div3A = arith.divf %sub3A_99, %add3A_102 : vector<16xf32>
      %mul3A_103 = arith.mulf %div3A, %div3A : vector<16xf32>
      %mul3A_104 = arith.constant 2.000000e+00 : f32
      %mul3A_105 = vector.broadcast %mul3A_104 : f32 to vector<16xf32>
      %mul3A_106 = arith.mulf %mul3A_105, %div3A : vector<16xf32>
      %mul3A_107 = arith.constant 0.111111112 : f32
      %mul3A_108 = vector.broadcast %mul3A_107 : f32 to vector<16xf32>
      %mul3A_109 = arith.mulf %mul3A_103, %mul3A_108 : vector<16xf32>
      %add3A_110 = arith.constant 0.142857149 : f32
      %add3A_111 = vector.broadcast %add3A_110 : f32 to vector<16xf32>
      %add3A_112 = arith.addf %add3A_111, %mul3A_109 : vector<16xf32>
      %mul3A_113 = arith.mulf %mul3A_103, %add3A_112 : vector<16xf32>
      %add3A_114 = arith.constant 2.000000e-01 : f32
      %add3A_115 = vector.broadcast %add3A_114 : f32 to vector<16xf32>
      %add3A_116 = arith.addf %add3A_115, %mul3A_113 : vector<16xf32>
      %mul3A_117 = arith.mulf %mul3A_103, %add3A_116 : vector<16xf32>
      %add3A_118 = arith.constant 0.333333343 : f32
      %add3A_119 = vector.broadcast %add3A_118 : f32 to vector<16xf32>
      %add3A_120 = arith.addf %add3A_119, %mul3A_117 : vector<16xf32>
      %mul3A_121 = arith.mulf %mul3A_103, %add3A_120 : vector<16xf32>
      %add3A_122 = arith.constant 1.000000e+00 : f32
      %add3A_123 = vector.broadcast %add3A_122 : f32 to vector<16xf32>
      %add3A_124 = arith.addf %add3A_123, %mul3A_121 : vector<16xf32>
      %mul3A_125 = arith.mulf %mul3A_106, %add3A_124 : vector<16xf32>
      %convert_element_type3A_126 = arith.sitofp %add3A_96 : vector<16xi32> to vector<16xf32>
      %mul3A_127 = arith.constant 0.693147182 : f32
      %mul3A_128 = vector.broadcast %mul3A_127 : f32 to vector<16xf32>
      %mul3A_129 = arith.mulf %convert_element_type3A_126, %mul3A_128 : vector<16xf32>
      %add3A_130 = arith.addf %mul3A_129, %mul3A_125 : vector<16xf32>
      %sub3A_131 = arith.subf %gather3A_54, %add3A_130 : vector<16xf32>
      %eq3A = arith.constant 0 : i32
      %eq3A_132 = vector.broadcast %eq3A : i32 to vector<16xi32>
      %eq3A_133 = arith.cmpi eq, %iota3A, %eq3A_132 : vector<16xi32>
      %bitcast3A_134 = vector.bitcast %sub3A_131 : vector<16xf32> to vector<16xi32>
      %broadcast_in_dim3A_135 = vector.broadcast %reduce_min3A_70 : i32 to vector<16xi32>
      %select_n3A_136 = arith.select %eq3A_133, %bitcast3A_134, %broadcast_in_dim3A_135 : vector<16xi1>, vector<16xi32>
      %swap3A = arith.constant 0 : index
      %swap3A_137 = tpu.vector_load %arg9[%swap3A] {strides = array<i32>} : memref<16xi32, #tpu.memory_space<vmem>>, vector<16xi32>,
      tpu.vector_store %arg9[%swap3A], %select_n3A_136 {strides = array<i32>} : memref<16xi32, #tpu.memory_space<vmem>>, vector<16xi32>,
      "tpu.region"() ({
        %run_scoped3A = tpu.sem_alloc : memref<!tpu.dma_semaphore, #tpu.memory_space<semaphore_mem>>
        %dma_start3A_139 = arith.constant 0 : i32
        %dma_start3A_140 = tpu.memref_slice %arg4[%add3A_21, %dma_start3A_139] : memref<64x16xi32, #tpu.memory_space<hbm>> -> memref<1x16xi32, #tpu.memory_space<hbm>>
        %dma_start3A_141 = tpu.memref_squeeze %dma_start3A_140 : memref<1x16xi32, #tpu.memory_space<hbm>> -> memref<16xi32, #tpu.memory_space<hbm>>
        %dma_start3A_142 = arith.constant 0 : i32
        %dma_start3A_143 = tpu.memref_slice %arg4[%add3A_21, %dma_start3A_142] : memref<64x16xi32, #tpu.memory_space<hbm>> -> memref<1x16xi32, #tpu.memory_space<hbm>>
        %dma_start3A_144 = tpu.memref_squeeze %dma_start3A_143 : memref<1x16xi32, #tpu.memory_space<hbm>> -> memref<16xi32, #tpu.memory_space<hbm>>
        tpu.enqueue_dma source(%arg9 : memref<16xi32, #tpu.memory_space<vmem>>) target(%dma_start3A_144 : memref<16xi32, #tpu.memory_space<hbm>>) target_semaphore(%run_scoped3A : memref<!tpu.dma_semaphore, #tpu.memory_space<semaphore_mem>>)
        %dma_wait3A = arith.constant 0 : i32
        %dma_wait3A_145 = tpu.memref_slice %arg4[%add3A_21, %dma_wait3A] : memref<64x16xi32, #tpu.memory_space<hbm>> -> memref<1x16xi32, #tpu.memory_space<hbm>>
        %dma_wait3A_146 = tpu.memref_squeeze %dma_wait3A_145 : memref<1x16xi32, #tpu.memory_space<hbm>> -> memref<16xi32, #tpu.memory_space<hbm>>
        %dma_wait3A_147 = arith.constant 0 : i32
        %dma_wait3A_148 = tpu.memref_slice %arg4[%add3A_21, %dma_wait3A_147] : memref<64x16xi32, #tpu.memory_space<hbm>> -> memref<1x16xi32, #tpu.memory_space<hbm>>
        %dma_wait3A_149 = tpu.memref_squeeze %dma_wait3A_148 : memref<1x16xi32, #tpu.memory_space<hbm>> -> memref<16xi32, #tpu.memory_space<hbm>>
        tpu.wait_dma2 semaphore(%run_scoped3A : memref<!tpu.dma_semaphore, #tpu.memory_space<semaphore_mem>>) src(%arg9 : memref<16xi32, #tpu.memory_space<vmem>>) dst(%dma_wait3A_149 : memref<16xi32, #tpu.memory_space<hbm>>)
        tpu.yield
      }) : () -> ()
      %scan3A_138 = arith.constant 0 : i32
      scf.yield %scan3A_138 : i32
    }
    %scan3A_16 = arith.constant 2 : i32
    return
  }
}

</mosaic_0001>

<sc_bundles>
// kernel: kernel.3.cloned.1.call-start
scs
__scs_entry_jumppad:
0x0: {  	(pc) =	sbr.rel $0x88, $3  }
0x1: {  	(tag) =	ssettag $0x0;
	lr =	simm.s32 $0x1  }
0x2: {  	[smem:$0x3F9F] =	sst lr;
	_ =	strace $0xD0000000  }
0x3: {  	_ = 	snop  }
0x4: {  	_ = 	snop  }
0x5: {  	_ = 	snop  }
0x6: {  	_ = 	snop  }
0x7: {  	_ = 	snop  }
__scs_overlays_trampoline_lowered:
0x8: {  	[smem:$0x3FAE] =	sst s0  }
0x9: {  	[smem:$0x3FAF] =	sst s1  }
0xa: {  	[smem:$0x3FB0] =	sst s2  }
0xb: {  	[smem:$0x3FB1] =	sst s3  }
0xc: {  	[smem:$0x3FB2] =	sst s4  }
0xd: {  	[smem:$0x3FB3] =	sst s5  }
0xe: {  	[smem:$0x3FB4] =	sst s6  }
0xf: {  	[smem:$0x3FB5] =	sst s7  }
0x10: {  	[smem:$0x3FB6] =	sst s8  }
0x11: {  	[smem:$0x3FB7] =	sst s9;
	s0 =	simm.s32 @!p0 $0x0  }
0x12: {  	s1 =	sld [smem:$0x3F9D];
	s0 =	simm.s32 @p0 $0x1  }
0x13: {  	[smem:$0x3FB8] =	sst s0;
	s0 =	simm.s32 @!p1 $0x0  }
0x14: {  	s2 =	sld [smem:$0x3F9C];
	s0 =	simm.s32 @p1 $0x1  }
0x15: {  	[smem:$0x3FB9] =	sst s0;
	s0 =	simm.s32 @!p2 $0x0  }
0x16: {  	s3 =	sld [smem:$0x3FDB];
	s0 =	simm.s32 @p2 $0x1  }
0x17: {  	s4 =	simm.s32 $0x1BF5;
	[smem:$0x3FBB] =	sst s0  }
0x18: {  	s0 =	sld [smem:$0x3F9E];
	_ =	swait.ge [sflag:s4], $0x0  }
0x19: {  	s7 =	sld [smem:$0x3F9F]  }
0x1a: {  	s8 =	sadd.s32 $0xFFFFE003, lr  }
0x1b: {  	s9 =	sadd.s32 $0xFFFFFEF7, lr;
	s5 =	simm.s32 $0xFFFFFFFF;
	p2 =	slt.u32 s8, $0xFFFFF086  }
0x1c: {  	p1 =	slt.u32 s9, $0xF7A;
	s5 =	simm.s32 @!p2 $0x0  }
0x1d: {  	s5 =	simm.s32 @p1 $0x1;
	p0 =	seq.s32 s7, s2  }
0x1e: {  	s7 =	smul.u32 @!p0 $0xF7A, s2;
	p2 =	seq.s32 @!p0 s5, $0x0  }
0x1f: {  	s9 =	smul.u32 $0xF7A, s1;
	s8 =	simm.s32 @!p0 $0x1BF5;
	p2 =	por !p2, p0  }
0x20: {  	[sflag:s8] =	ssyncset.s32 @!p0 $0xFFFFF086;
	s6 =	sadd.s32 @!p0 s3, s7;
	s7 =	simm.s32 @!p0 $0x108  }
0x21: {  	s3 =	sadd.s32 s3, s9;
	s6 =	sadd.s32 @!p0 $0x88, s6;
	s7 =	simm.s32 @p2 $0x1082  }
0x22: {  	[simem:s7], [sflag:s8] =	dma.local @!p0 [hbm:s6], $0xF7A  }
0x23: {  	s9 =	sor.u32 $0xD0000000, s2;
	s6 =	simm.s32 $0x108;
	_ =	swait.ge @!p0 [sflag:s8], $0x0  }
0x24: {  	s3 =	sadd.s32 $0x88, s3;
	s6 =	simm.s32 @!p1 $0x1082;
	[sflag:s4] =	ssyncset.s32 $0xFFFFF086  }
0x25: {  	[simem:s6], [sflag:s4] =	dma.local [hbm:s3], $0xF7A  }
0x26: {  	[smem:$0x3F9F] =	sst s1;
	(tag) =	ssettag s2;
	_ =	strace s9  }
0x27: {  	s1 =	sld [smem:$0x3FAF]  }
0x28: {  	s2 =	sld [smem:$0x3FB0]  }
0x29: {  	s4 =	sld [smem:$0x3FB2]  }
0x2a: {  	p0 =	seq.s32 s5, $0x0;
	s5 =	sld [smem:$0x3FB3]  }
0x2b: {  	s6 =	sld [smem:$0x3FB4]  }
0x2c: {  	s7 =	sld [smem:$0x3FB5]  }
0x2d: {  	s3 =	simm.s32 $0x108;
	s8 =	sld [smem:$0x3FB6]  }
0x2e: {  	s3 =	simm.s32 @!p0 $0x1082;
	s9 =	sld [smem:$0x3FB7]  }
0x2f: {  	lr =	sadd.s32 s0, s3;
	s0 =	sld [smem:$0x3FAE]  }
0x30: {  	s3 =	sld [smem:$0x3FB1]  }
0x31: {  	[smem:$0x3FBA] =	sst s10  }
0x32: {  	s10 =	sld [smem:$0x3FB8];
	_ =	sdelay $0x3  }
0x33: {  	p0 =	seq.s32 s10, $0x1;
	s10 =	sld [smem:$0x3FBA];
	_ =	sdelay $0x3  }
0x34: {  	[smem:$0x3FBA] =	sst s10  }
0x35: {  	s10 =	sld [smem:$0x3FB9];
	_ =	sdelay $0x3  }
0x36: {  	p1 =	seq.s32 s10, $0x1;
	s10 =	sld [smem:$0x3FBA];
	_ =	sdelay $0x3  }
0x37: {  	[smem:$0x3FBA] =	sst s10  }
0x38: {  	s10 =	sld [smem:$0x3FBB]  }
0x39: {  	_ = 	snop;
	(pc) =	sbr.ind lr, $3  }
0x3a: {  	_ = 	snop  }
0x3b: {  	_ = 	snop  }
0x3c: {  	p2 =	seq.s32 s10, $0x1;
	s10 =	sld [smem:$0x3FBA]  }
0x3d: {  	_ =	shalt  }
0x3e: {  	_ =	shalt  }
0x3f: {  	_ =	shalt  }
0x40: {  	_ =	shalt  }
0x41: {  	_ =	shalt  }
0x42: {  	_ =	shalt  }
0x43: {  	_ =	shalt  }
0x44: {  	_ =	shalt  }
0x45: {  	_ =	shalt  }
0x46: {  	_ =	shalt  }
0x47: {  	_ =	shalt  }
0x48: {  	_ =	shalt  }
0x49: {  	_ =	shalt  }
0x4a: {  	_ =	shalt  }
0x4b: {  	_ =	shalt  }
0x4c: {  	_ =	shalt  }
0x4d: {  	_ =	shalt  }
0x4e: {  	_ =	shalt  }
0x4f: {  	_ =	shalt  }
0x50: {  	_ =	shalt  }
0x51: {  	_ =	shalt  }
0x52: {  	_ =	shalt  }
0x53: {  	_ =	shalt  }
0x54: {  	_ =	shalt  }
0x55: {  	_ =	shalt  }
0x56: {  	_ =	shalt  }
0x57: {  	_ =	shalt  }
0x58: {  	_ =	shalt  }
0x59: {  	_ =	shalt  }
0x5a: {  	_ =	shalt  }
0x5b: {  	_ =	shalt  }
0x5c: {  	_ =	shalt  }
0x5d: {  	_ =	shalt  }
0x5e: {  	_ =	shalt  }
0x5f: {  	_ =	shalt  }
0x60: {  	_ =	shalt  }
0x61: {  	_ =	shalt  }
0x62: {  	_ =	shalt  }
0x63: {  	_ =	shalt  }
0x64: {  	_ =	shalt  }
0x65: {  	_ =	shalt  }
0x66: {  	_ =	shalt  }
0x67: {  	_ =	shalt  }
0x68: {  	_ =	shalt  }
0x69: {  	_ =	shalt  }
0x6a: {  	_ =	shalt  }
0x6b: {  	_ =	shalt  }
0x6c: {  	_ =	shalt  }
0x6d: {  	_ =	shalt  }
0x6e: {  	_ =	shalt  }
0x6f: {  	_ =	shalt  }
0x70: {  	_ =	shalt  }
0x71: {  	_ =	shalt  }
0x72: {  	_ =	shalt  }
0x73: {  	_ =	shalt  }
0x74: {  	_ =	shalt  }
0x75: {  	_ =	shalt  }
0x76: {  	_ =	shalt  }
0x77: {  	_ =	shalt  }
0x78: {  	_ =	shalt  }
0x79: {  	_ =	shalt  }
0x7a: {  	_ =	shalt  }
0x7b: {  	_ =	shalt  }
0x7c: {  	_ =	shalt  }
0x7d: {  	_ =	shalt  }
0x7e: {  	_ =	shalt  }
0x7f: {  	_ =	shalt  }
0x80: {  	_ =	shalt  }
0x81: {  	_ =	shalt  }
0x82: {  	_ =	shalt  }
0x83: {  	_ =	shalt  }
0x84: {  	_ =	shalt  }
0x85: {  	_ =	shalt  }
0x86: {  	_ =	shalt  }
0x87: {  	_ =	shalt  }
.Lfunc_end0:
.L_simem_size_0:
called_computation_lowered:
.L_overlay_start_0:
0x88: {  	s2 =	sld [smem:$0x3FD9]  }
0x89: {  	s3 =	sld [smem:$0x3FFE];
	_ =	sdelay $0x1  }
0x8a: {  	s1 =	srdreg.scid  }
0x8b: {  	s0 =	sand.u32 $0x1, s1  }
0x8c: {  	s17 =	sshll.u32 s0, $0xA;
	s2 =	sadd.s32 s3, s2  }
0x8d: {  	s2 =	sadd.s32 s2, s17  }
0x8e: {  	[smem:$0x3FC6] =	sst s2  }
0x8f: {  	_ = 	snop  }
0x90: {  	s2 =	sld [smem:$0x3FC9]  }
0x91: {  	s18 =	sld [smem:$0x3FC8];
	(tm) =	ssettm $0x1  }
0x92: {  	s4 =	sld [smem:$0x3FFB];
	_ =	sdelay $0x3  }
0x93: {  	_ =	strace s4  }
0x94: {  	s4 =	sld [smem:$0x3FFC];
	_ =	sdelay $0x3  }
0x95: {  	_ =	strace s4  }
0x96: {  	s4 =	sld [smem:$0x3FFD];
	_ =	sdelay $0x3  }
0x97: {  	_ =	strace s4  }
0x98: {  	_ =	strace $0x8FFFFFFF  }
0x99: {  	s19 =	sld [smem:$0x3FDB];
	_ =	sdelay $0x1  }
0x9a: {  	s5 =	simm.s32 $_scs_section_size  }
0x9b: {  	s6 =	simm.s32 $_size__tile_overlayer_lowered;
	s7 =	simm.s32 $_tile_overlayer_lowered  }
0x9c: {  	s22 =	simm.s32 $0x1BFF;
	s21 =	sshll.u32 s7, $0x1;
	s4 =	sadd.s32 s5, s19  }
0x9d: {  	s8 =	simm.s32 $0x0;
	s20 =	sshll.u32 s6, $0x1;
	s6 =	sadd.s32 s21, s4  }
0x9e: {  	[timem:s8], [sflag:s22] =	dma.local [hbm:s6], s20  }
0x9f: {  	_ =	swait.ge [sflag:s22], s20  }
0xa0: {  	s5 =	ssub.s32 $0x0, s20;
	[sflag:s22] =	ssyncset.done $0x0  }
0xa1: {  	[sflag:s22] =	ssyncadd.s32 s5;
	_ =	sdelay $0x1  }
0xa2: {  	s23 =	simm.s32 $0x1B8B  }
0xa3: {  	_ =	swait.ge [sflag:s23], $0x1  }
0xa4: {  	[sflag:s23] =	ssyncset.done $0x0  }
0xa5: {  	s25 =	simm.s32 $0x1B8E;
	s24 =	sld [smem:$0x3FFE];
	[sflag:s23] =	ssyncadd.s32 $0xFFFFFFFF  }
0xa6: {  	s26 =	simm.s32 $execute0_lowered;
	[smem:$0x3FD2] =	sst s25  }
0xa7: {  	s6 =	sshll.u32 s26, $0x1;
	_ =	strace $0x80000046;
	[dreg:$0x1] =	wrdreg $0xFFFFFFFF  }
0xa8: {  	s28 =	simm.s32 $_size_execute0_lowered;
	s4 =	sadd.s32 s4, s6;
	[dreg:$0x0] =	wrdreg $0x0  }
0xa9: {  	s6 =	sshll.u32 s28, $0x1;
	[dreg:$0x2] =	wrdreg s4  }
0xaa: {  	[dreg:$0x3] =	wrdreg s6  }
0xab: {  	[dreg:$0x4] =	wrdreg $0xC0  }
0xac: {  	_ =	task [dreg:s8], $0x5FFFF  }
0xad: {  	[dreg:$0x1] =	wrdreg $0xFFFFFFFF  }
0xae: {  	[dreg:$0x0] =	wrdreg $0x60  }
0xaf: {  	[dreg:$0x2] =	wrdreg s2  }
0xb0: {  	[dreg:$0x3] =	wrdreg s18  }
0xb1: {  	[dreg:$0x4] =	wrdreg s24  }
0xb2: {  	[dreg:$0x5] =	wrdreg $0x9  }
0xb3: {  	_ =	task.clear_ibuf [dreg:s8], $0x6FFFF;
	_ =	strace $0x90000046  }
0xb4: {  	s29 =	simm.s32 $0x9;
	_ =	strace $0x80000048  }
0xb5: {  	_ =	swait.ge [sflag:s29], $0x1  }
0xb6: {  	[sflag:s29] =	ssyncadd.s32 $0xFFFFFFFF  }
0xb7: {  	_ =	strace $0x90000048  }
0xb8: {  	_ =	sfence  }
0xb9: {  	s30 =	sld [smem:$0x0];
	_ =	sdelay $0x2  }
0xba: {  	s31 =	sshll.u32 s1, $0xD;
	s1 =	sshrl.u32 s1, $0x2  }
0xbb: {  	s3 =	sand.u32 $0x4000, s31;
	s1 =	sadd.s32 s1, s30  }
0xbc: {  	s0 =	sor.u32 s3, s0;
	s1 =	sshll.u32 s1, $0x11  }
0xbd: {  	s0 =	sor.u32 s1, s0  }
0xbe: {  	s0 =	sadd.s32 $0x8F2B, s0  }
0xbf: {  	[sflag:s0] =	ssyncadd.remote.s32 $0x1  }
0xc0: {  	_ =	sfence.sel $0xFFFF  }
0xc1: {  	[dreg:$0x0] =	wrdreg $0xFFFFFFFF;
	(pc) =	sbr.abs _section_cstart, $3  }
0xc2: {  	[dreg:$0x1] =	wrdreg $0xFFFFFFFF  }
0xc3: {  	_ =	task.clear_ibuf [dreg:s8], $0x2FFFF;
	_ =	strace $0x9FFFFFFF  }
0xc4: {  	(tm) =	ssettm $0x7FFFFFFF  }
0xc5: {  	_ =	shalt  }
tec
execute0_lowered:
.L_overlay_start_1:
0x0: {  	(tag) =	ssettag $0x1  }
0x1: {  	s2 =	rddreg [dreg:$0x0]  }
0x2: {  	s3 =	rddreg [dreg:$0x1];
	s0 =	srdreg.scid  }
0x3: {  	s6 =	rddreg [dreg:$0x2];
	s1 =	stileid.u32  }
0x4: {  	s4 =	simm.s32 $0x0;
	s11 =	simm.s32 $0x80;
	s12 =	simm.s32 $0x400  }
0x5: {  	s13 =	simm.s32 $0x19300;
	s14 =	simm.s32 $0x3;
	s15 =	simm.s32 $0x0  }
0x6: {  	s7 =	sand.u32 $0x1, s0;
	s0 =	rddreg [dreg:$0x3];
	s5 =	sshll.u32 s1, $0x2  }
0x7: {  	s29 =	sshrl.u32 s1, $0x1;
	[smem:$0x7FF] =	sst s4;
	s8 =	sshll.u32 s7, $0x1  }
0x8: {  	s10 =	sshll.u32 s1, $0x6;
	_ =	strace $0x80000047;
	s5 =	sor.u32 s8, s5  }
0x9: {  	s7 =	ssub.s32 $0x2, s7;
	s8 =	smul.u32 $0xC3800, s29;
	s9 =	sshll.u32 s5, $0x7  }
0xa: {  	s30 =	sand.u32 $0x380, s10;
	s31 =	sshrl.u32 s7, $0x1;
	s9 =	sand.u32 $0x300, s9  }
0xb: {  	s10 =	ssub.s32 s7, s31;
	s8 =	sor.u32 s8, s9;
	s9 =	sadd.s32 s30, s6  }
0xc: {  	s8 =	sshrl.u32 s8, $0x3;
	s7 =	sadd.s32 $0x400, s9;
	s9 =	simm.s32 $0x18700  }
0xd: {  	v0 =	vlaneseq.u32;
	v1 =	vimm.s32 $0x0;
	vm0 =	vcmask $0x3F04;
	s6 =	sadd.s32 s2, s8;
	s8 =	smax.u32 s10, $0x1;
	s10 =	simm.s32 $0x2  }
.LBB2_1:
0xe: {  	[tilespmem:s9], [sflag:$0x2] =	stream.linear.gather [hbm4b:s3+s4], $0x80, $0x38;
	[tilespmem:$0x19380] =	vst v63  }
0xf: {  	_ =	swait.ge [sflag:s10], $0x80  }
0x10: {  	p2 =	por $0x1, $0x1;
	[sflag:s10] =	ssyncset.done $0x0  }
0x11: {  	p1 =	por $0x0, $0x0;
	s16 =	simm.s32 $0x0;
	[sflag:s10] =	ssyncadd.s32 $0xFFFFFF80  }
0x12: {  	[tilespmem:s4], [sflag:$0x1] =	stream.strided.gather [hbm4b:s6+s11], $0x18700, s12, s11, $0x38;
	[tilespmem:$0x19380] =	vst v63  }
.LBB2_2:
0x13: {  	v6 =	vimm.f32 $0.0e+00;
	v2 =	vimm.f32 $-Inf  }
0x14: {  	p0 =	por p2, p2;
	s17 =	simm.s32 $0x0;
	v8 =	vimm.f32 $0.0e+00;
	v9 =	vimm.f32 $0.0e+00;
	v10 =	vimm.f32 $0.0e+00  }
.LBB2_4:
0x15: {  	p2 =	seq.s32 s17, $0xF  }
0x16: {  	s18 =	simm.s32 @p2 $0x1  }
0x17: {  	p3 =	sne.s32 @!p2 s17, $0x0;
	_ =	swait.ge @p2 [sflag:s18], $0x380  }
0x18: {  	p4 =	por !p3, p2;
	[sflag:s18] =	ssyncset.done @p2 $0x0  }
0x19: {  	[sflag:s18] =	ssyncadd.s32 @p2 $0xFFFFFC80;
	s18 =	simm.s32 @!p4 $0x1  }
0x1a: {  	s19 =	sshll.u32 @!p2 s17, $0x3;
	_ =	swait.ge @!p4 [sflag:s18], $0x1900  }
0x1b: {  	p3 =	por p3, p2;
	s19 =	simm.s32 @p2 $0x78;
	[sflag:s18] =	ssyncset.done @!p4 $0x0  }
0x1c: {  	s20 =	smul.u32 $0xC80, s19;
	[sflag:s18] =	ssyncadd.s32 @!p4 $0xFFFFE700;
	s18 =	simm.s32 @!p3 $0x1  }
0x1d: {  	_ =	swait.ge @!p3 [sflag:s18], $0x2580  }
0x1e: {  	s20 =	sshra.s32 s20, $0x2;
	[sflag:s18] =	ssyncset.done @!p3 $0x0  }
0x1f: {  	s21 =	sadd.s32 $0x190, s20;
	[sflag:s18] =	ssyncadd.s32 @!p3 $0xFFFFDA80  }
0x20: {  	v3 =	vld [tilespmem:s21+$0xFFFFFEA0];
	_ =	sdelay $0x1  }
0x21: {  	v4 =	vld [tilespmem:s21+$0xFFFFFEE0];
	_ =	sdelay $0x1  }
0x22: {  	v5 =	vld [tilespmem:s21+$0xFFFFFF20]  }
0x23: {  	v7 =	vmul.f32 $1.442695020e+00, v3;
	_ =	sdelay $0x1  }
0x24: {  	v11 =	vmul.f32 $1.442695020e+00, v4;
	(erf) = vpow2.f32 v7;
	v7 =	vld [tilespmem:s21+$0xFFFFFFA0]  }
0x25: {  	v12 =	vld [tilespmem:s21+$0xFFFFFF60]  }
0x26: {  	v15 =	vld [tilespmem:s21+$0xFFFFFFE0];
	v13 =	vmul.f32 $1.442695020e+00, v5;
	(erf) = vpow2.f32 v11  }
0x27: {  	v16 =	vld [tilespmem:s21+$0x20]  }
0x28: {  	v18 =	vld [tilespmem:s21+$0x60];
	(erf) = vpow2.f32 v13  }
0x29: {  	v62 =	vld [tilespmem:s21+$0x160];
	v13 =	vmul.f32 $1.442695020e+00, v7  }
0x2a: {  	v63 =	vld [tilespmem:s21+$0xFFFFFF50];
	v11 =	vmul.f32 $1.442695020e+00, v12  }
0x2b: {  	v25 =	vld [tilespmem:s21+$0xFFFFFF80];
	v14 =	vmul.f32 $1.442695020e+00, v15  }
0x2c: {  	v26 =	vld [tilespmem:s21+$0xFFFFFF30];
	(erf) = vpow2.f32 v11  }
0x2d: {  	v44 =	vld [tilespmem:s21+$0xFFFFFEC0];
	v17 =	vmul.f32 $1.442695020e+00, v16;
	(erf) = vpow2.f32 v13;
	v13 =	vpop (erf)  }
0x2e: {  	v3 =	vmax.f32 v3, v4;
	v4 =	vld [tilespmem:s21+$0xA0];
	v13 =	vadd.f32 v13, v6  }
0x2f: {  	v11 =	vld [tilespmem:s21+$0x80];
	(erf) = vpow2.f32 v14;
	v14 =	vpop (erf)  }
0x30: {  	v19 =	vmul.f32 $1.442695020e+00, v18;
	v3 =	vmax.f32 v3, v5;
	v5 =	vld [tilespmem:s21+$0xE0];
	v13 =	vadd.f32 v14, v13  }
0x31: {  	v27 =	vmul.f32 $1.442695020e+00, v63;
	(erf) = vpow2.f32 v17;
	v17 =	vpop (erf);
	v14 =	vld [tilespmem:s21+$0x40]  }
0x32: {  	v45 =	vmul.f32 $1.442695020e+00, v25;
	v28 =	vmul.f32 $1.442695020e+00, v62;
	v13 =	vadd.f32 v17, v13;
	v17 =	vld [tilespmem:s21+$0x0]  }
0x33: {  	v47 =	vmul.f32 $1.442695020e+00, v26;
	v3 =	vmax.f32 v3, v12;
	v12 =	vld [tilespmem:s21+$0x120];
	v20 =	vmul.f32 $1.442695020e+00, v4  }
0x34: {  	v29 =	vld [tilespmem:s21+$0xFFFFFE70];
	v3 =	vmax.f32 v3, v7;
	v7 =	vmul.f32 $1.442695020e+00, v11;
	(erf) = vpow2.f32 v19  }
0x35: {  	v30 =	vld [tilespmem:s21+$0xFFFFFE90];
	v22 =	vmul.f32 $1.442695020e+00, v5;
	v21 =	vpop (erf);
	(erf) = vpow2.f32 v20  }
0x36: {  	v3 =	vmax.f32 v3, v15;
	v6 =	vld [tilespmem:s21+$0x30];
	v21 =	vadd.f32 v21, v13;
	v23 =	vpop (erf);
	(erf) = vpow2.f32 v7  }
0x37: {  	v3 =	vmax.f32 v3, v16;
	v13 =	vld [tilespmem:s21+$0xFFFFFFB0];
	v15 =	vmul.f32 $1.442695020e+00, v14;
	v16 =	vmul.f32 $1.442695020e+00, v17  }
0x38: {  	v61 =	vmul.f32 $1.442695020e+00, v12;
	v19 =	vld [tilespmem:s21+$0xFFFFFFD0];
	(erf) = vpow2.f32 v22;
	v7 =	vadd.f32 v23, v21  }
0x39: {  	v48 =	vmul.f32 $1.442695020e+00, v44;
	v20 =	vld [tilespmem:s21+$0xFFFFFFC0];
	v24 =	vpop (erf);
	(erf) = vpow2.f32 v15  }
0x3a: {  	v31 =	vld [tilespmem:s21+$0xFFFFFF00];
	v49 =	vmul.f32 $1.442695020e+00, v29;
	v7 =	vadd.f32 v24, v7;
	(erf) = vpow2.f32 v61  }
0x3b: {  	v33 =	vld [tilespmem:s21+$0xFFFFFED0];
	v3 =	vmax.f32 v3, v18;
	v15 =	vmul.f32 $1.442695020e+00, v6;
	(erf) = vpow2.f32 v16;
	v16 =	vpop (erf)  }
0x3c: {  	s18 =	smul.u32 $0x320, s19;
	v36 =	vld [tilespmem:s21+$0xFFFFFF10];
	v3 =	vmax.f32 v3, v4;
	v42 =	vmul.f32 $1.442695020e+00, v13;
	v7 =	vadd.f32 v16, v7  }
0x3d: {  	v43 =	vmul.f32 $1.442695020e+00, v19;
	(erf) = vpow2.f32 v15;
	v16 =	vpop (erf)  }
0x3e: {  	s30 =	sand.u32 $0x7FFFFFE0, s18;
	v18 =	vld [tilespmem:s21+$0xFFFFFF40];
	v4 =	vmul.f32 $1.442695020e+00, v20;
	(erf) = vpow2.f32 v42;
	v7 =	vadd.f32 v16, v7  }
0x3f: {  	v32 =	vld [tilespmem:s30+$0x100];
	v35 =	vmul.f32 $1.442695020e+00, v30;
	v5 =	vmax.f32 v3, v5;
	(erf) = vpow2.f32 v43;
	v3 =	vpop (erf)  }
0x40: {  	v30 =	vmax.f32 v30, v33;
	(erf) = vpow2.f32 v4;
	v16 =	vld [tilespmem:s21+$0xFFFFFEB0];
	v4 =	vadd.f32 v3, v7  }
0x41: {  	v55 =	vld [tilespmem:s21+$0xFFFFFF90];
	v53 =	vmul.f32 $1.442695020e+00, v31;
	v39 =	vmul.f32 $1.442695020e+00, v33;
	v30 =	vmax.f32 v30, v36  }
0x42: {  	v56 =	vld [tilespmem:s21+$0x10];
	v36 =	vmul.f32 $1.442695020e+00, v36;
	v5 =	vmax.f32 v5, v12;
	(erf) = vpow2.f32 v27;
	v3 =	vpop (erf)  }
0x43: {  	v15 =	vld [tilespmem:s21+$0xFFFFFE80];
	v7 =	vmul.f32 $1.442695020e+00, v18;
	(erf) = vpow2.f32 v45;
	v46 =	vpop (erf)  }
0x44: {  	v51 =	vld [tilespmem:s30+$0x180];
	v54 =	vmul.f32 $1.442695020e+00, v32;
	v24 =	vadd.f32 v46, v4;
	v4 =	vpop (erf);
	(erf) = vpow2.f32 v28  }
0x45: {  	v12 =	vld [tilespmem:s30+$0x80];
	v23 =	vmax.f32 v5, v62;
	(erf) = vpow2.f32 v7;
	v5 =	vpop (erf);
	v7 =	vmul.f32 $1.442695020e+00, v16  }
0x46: {  	v22 =	vmax.f32 v30, v63;
	v24 =	vadd.f32 v5, v24;
	(erf) = vpow2.f32 v47;
	v5 =	vpop (erf)  }
0x47: {  	v59 =	vld [tilespmem:s21+$0x50];
	v22 =	vmax.f32 v22, v55;
	v29 =	vmax.f32 v29, v16;
	(erf) = vpow2.f32 v48;
	v16 =	vpop (erf)  }
0x48: {  	v38 =	vld [tilespmem:s30+$0x200];
	v50 =	vmul.f32 $1.442695020e+00, v15;
	v15 =	vmax.f32 v15, v44;
	(erf) = vpow2.f32 v7;
	v34 =	vpop (erf)  }
0x49: {  	v58 =	vmul.f32 $1.442695020e+00, v51;
	v19 =	vmax.f32 v22, v19;
	v61 =	vld [tilespmem:s21+$0x90];
	(erf) = vpow2.f32 v49;
	v7 =	vpop (erf)  }
0x4a: {  	v52 =	vmul.f32 $1.442695020e+00, v12;
	v19 =	vmax.f32 v19, v56;
	v29 =	vmax.f32 v29, v12;
	v12 =	vpop (erf)  }
0x4b: {  	v37 =	vmax.f32 v15, v31;
	v26 =	vmax.f32 v29, v26;
	(erf) = vpow2.f32 v50;
	v15 =	vpop (erf)  }
0x4c: {  	v57 =	vld [tilespmem:s30+$0x280];
	v18 =	vmax.f32 v37, v18;
	v26 =	vmax.f32 v26, v32;
	(erf) = vpow2.f32 v35;
	v32 =	vpop (erf)  }
0x4d: {  	v19 =	vmax.f32 v19, v59;
	v18 =	vmax.f32 v18, v25;
	v46 =	vld [tilespmem:s21+$0x100];
	v33 =	vpop (erf);
	(erf) = vpow2.f32 v52  }
0x4e: {  	v41 =	vmul.f32 $1.442695020e+00, v38;
	v19 =	vmax.f32 v19, v61;
	v45 =	vld [tilespmem:s21+$0xB0];
	v18 =	vmax.f32 v18, v20;
	v40 =	vpop (erf)  }
0x4f: {  	v31 =	vmul.f32 $1.442695020e+00, v55;
	v17 =	vmax.f32 v18, v17;
	v18 =	vld [tilespmem:s21+$0xD0];
	(erf) = vpow2.f32 v58;
	v60 =	vpop (erf)  }
0x50: {  	v25 =	vmul.f32 $1.442695020e+00, v56;
	v14 =	vmax.f32 v17, v14;
	v17 =	vld [tilespmem:s21+$0xC0];
	(erf) = vpow2.f32 v41;
	v42 =	vpop (erf)  }
0x51: {  	v20 =	vmul.f32 $1.442695020e+00, v61;
	v11 =	vmax.f32 v14, v11;
	v14 =	vld [tilespmem:s21+$0x110];
	(erf) = vpow2.f32 v39;
	v62 =	vpop (erf)  }
0x52: {  	v13 =	vmax.f32 v26, v13;
	v61 =	vmul.f32 $1.442695020e+00, v46;
	(erf) = vpow2.f32 v31;
	v63 =	vpop (erf)  }
0x53: {  	v48 =	vld [tilespmem:s21+$0x140];
	v13 =	vmax.f32 v13, v51;
	(erf) = vpow2.f32 v54;
	v10 =	vadd.f32 v63, v10  }
0x54: {  	v44 =	vld [tilespmem:s21+$0x150];
	v51 =	vmul.f32 $1.442695020e+00, v57;
	v19 =	vmax.f32 v19, v18;
	v6 =	vmax.f32 v13, v6;
	v43 =	vpop (erf)  }
0x55: {  	v49 =	vmul.f32 $1.442695020e+00, v45;
	v11 =	vmax.f32 v11, v17;
	v47 =	vpop (erf);
	v10 =	vadd.f32 v62, v10  }
0x56: {  	v6 =	vmax.f32 v6, v38;
	v13 =	vmax.f32 v19, v14;
	v19 =	vld [tilespmem:s21+$0x180];
	v29 =	vadd.f32 v47, v8;
	v8 =	vpop (erf)  }
0x57: {  	v11 =	vmax.f32 v11, v46;
	(erf) = vpow2.f32 v53;
	v10 =	vadd.f32 v8, v10  }
0x58: {  	v17 =	vmul.f32 $1.442695020e+00, v17;
	v6 =	vmax.f32 v6, v45;
	v11 =	vmax.f32 v11, v48;
	v52 =	vld [tilespmem:s21+$0x130];
	v50 =	vpop (erf)  }
0x59: {  	v13 =	vmax.f32 v13, v44;
	v6 =	vmax.f32 v6, v57;
	v8 =	vmul.f32 $1.442695020e+00, v14;
	v14 =	vld [tilespmem:s30+$0x300];
	v53 =	vpop (erf)  }
0x5a: {  	v21 =	vmul.f32 $1.442695020e+00, v48;
	v13 =	vmax.f32 v13, v23;
	(erf) = vpow2.f32 v20;
	v55 =	vpop (erf)  }
0x5b: {  	v11 =	vmax.f32 v11, v19;
	(erf) = vpow2.f32 v36;
	v27 =	vadd.f32 v60, v10;
	v10 =	vpop (erf)  }
0x5c: {  	v19 =	vmul.f32 $1.442695020e+00, v19;
	v54 =	vmul.f32 $1.442695020e+00, v59;
	v9 =	vadd.f32 v43, v9;
	v58 =	vpop (erf)  }
0x5d: {  	v59 =	vmax.f32 v6, v52;
	(erf) = vpow2.f32 v49;
	v27 =	vadd.f32 v58, v27  }
0x5e: {  	v9 =	vadd.f32 v42, v9;
	(erf) = vpow2.f32 v51;
	v57 =	vmul.f32 $1.442695020e+00, v14  }
0x5f: {  	s17 =	sadd.s32 @!p2 $0x1, s17;
	v20 =	vmul.f32 $1.442695020e+00, v52;
	(erf) = vpow2.f32 v17;
	v60 =	vadd.f32 v34, v27  }
0x60: {  	s20 =	sshll.u32 @!p2 s17, $0x3;
	v6 =	vadd.f32 v33, v24;
	v17 =	vmul.f32 $1.442695020e+00, v18;
	v18 =	vpop (erf);
	(erf) = vpow2.f32 v57  }
0x61: {  	s20 =	simm.s32 @p2 $0x7D;
	v56 =	vadd.f32 v55, v29;
	(erf) = vpow2.f32 v20;
	v24 =	vadd.f32 v50, v60  }
0x62: {  	s20 =	ssub.s32 s20, s19;
	v14 =	vmax.f32 v59, v14;
	v18 =	vadd.f32 v18, v9;
	(erf) = vpow2.f32 v25  }
0x63: {  	p3 =	seq.s32 s20, $0x1;
	v11 =	vmax.f32 v14, v11;
	v9 =	vpop (erf);
	(erf) = vpow2.f32 v54;
	v14 =	vadd.f32 v16, v24  }
.Ltmp0:
0x64: {  	v11 =	vmax.f32 v11, v13;
	v18 =	vadd.f32 v40, v18;
	v16 =	vpop (erf);
	(erf) = vpow2.f32 v17;
	(pc) =	sbr.rel @p3 .LBB2_6-.Ltmp0, $4  }
0x65: {  	s22 =	sshll.u32 s19, $0x4;
	v16 =	vadd.f32 v16, v56;
	(erf) = vpow2.f32 v61;
	v17 =	vadd.f32 v53, v14  }
0x66: {  	s31 =	sand.u32 $0x3FFFFFF0, s22;
	v62 =	vmul.f32 $1.442695020e+00, v44;
	v63 =	vpop (erf);
	v18 =	vadd.f32 v32, v18;
	(erf) = vpow2.f32 v19  }
0x67: {  	s19 =	sadd.s32 $0x18780, s31;
	v16 =	vadd.f32 v15, v16;
	v14 =	vpop (erf);
	v15 =	vadd.f32 v63, v17;
	(erf) = vpow2.f32 v21  }
0x68: {  	s17 =	simm.s32 @p2 $0x10;
	s20 =	sadd.s32 $0xFFFFFFFF, s20;
	s21 =	sadd.s32 $0x320, s21;
	[tilespmem:s19+$0x0] =	vst v11;
	v2 =	vmax.f32 v2, v11;
	v12 =	vadd.f32 v12, v18;
	v11 =	vpop (erf);
	(erf) = vpow2.f32 v62  }
.LBB2_5:
0x69: {  	v13 =	vld [tilespmem:s21+$0xFFFFFEA0];
	p2 =	seq.s32 s20, $0x1;
	v10 =	vadd.f32 v10, v16;
	v14 =	vadd.f32 v14, v15;
	s19 =	sadd.s32 $0x10, s19;
	s18 =	sadd.s32 $0x320, s18;
	(erf) = vpow2.f32 v8;
	v8 =	vpop (erf)  }
0x6a: {  	s20 =	sadd.s32 $0xFFFFFFFF, s20;
	v16 =	vadd.f32 v5, v12;
	v12 =	vpop (erf)  }
0x6b: {  	v15 =	vld [tilespmem:s21+$0xFFFFFEE0];
	v7 =	vadd.f32 v7, v10;
	v17 =	vadd.f32 v12, v14;
	v12 =	vpop (erf)  }
0x6c: {  	v16 =	vadd.f32 v4, v16;
	v5 =	vpop (erf)  }
0x6d: {  	v14 =	vld [tilespmem:s21+$0xFFFFFF20];
	v18 =	vadd.f32 v12, v7;
	v8 =	vadd.f32 v8, v17;
	v10 =	vpop (erf)  }
0x6e: {  	v12 =	vmul.f32 $1.442695020e+00, v13;
	v3 =	vadd.f32 v3, v16;
	v4 =	vpop (erf)  }
0x6f: {  	v16 =	vld [tilespmem:s21+$0xFFFFFF60];
	v5 =	vadd.f32 v5, v18;
	v7 =	vpop (erf)  }
0x70: {  	v17 =	vmul.f32 $1.442695020e+00, v15;
	(erf) = vpow2.f32 v12;
	v3 =	vadd.f32 v11, v3;
	v11 =	vpop (erf)  }
0x71: {  	v12 =	vmax.f32 v13, v15;
	v13 =	vld [tilespmem:s21+$0xFFFFFFA0];
	v5 =	vadd.f32 v9, v5;
	v9 =	vpop (erf)  }
0x72: {  	v15 =	vmul.f32 $1.442695020e+00, v14;
	(erf) = vpow2.f32 v17;
	v3 =	vadd.f32 v4, v3;
	v4 =	vpop (erf)  }
0x73: {  	v12 =	vmax.f32 v12, v14;
	v14 =	vld [tilespmem:s21+$0xFFFFFFE0];
	v5 =	vadd.f32 v10, v5  }
0x74: {  	v10 =	vmul.f32 $1.442695020e+00, v16;
	(erf) = vpow2.f32 v15;
	v3 =	vadd.f32 v11, v3  }
0x75: {  	v11 =	vmax.f32 v12, v16;
	v12 =	vld [tilespmem:s21+$0x20];
	v4 =	vadd.f32 v4, v5  }
0x76: {  	v5 =	vmul.f32 $1.442695020e+00, v13;
	(erf) = vpow2.f32 v10;
	v10 =	vadd.f32 v7, v3  }
0x77: {  	v3 =	vld [tilespmem:s21+$0x60];
	v9 =	vadd.f32 v9, v4  }
0x78: {  	v4 =	vmax.f32 v11, v13;
	v7 =	vmul.f32 $1.442695020e+00, v14;
	v11 =	vld [tilespmem:s21+$0x80];
	(erf) = vpow2.f32 v5  }
0x79: {  	v4 =	vmax.f32 v4, v14;
	v5 =	vld [tilespmem:s21+$0xA0];
	v13 =	vpop (erf)  }
0x7a: {  	v13 =	vadd.f32 v13, v6;
	v15 =	vmul.f32 $1.442695020e+00, v12;
	v6 =	vld [tilespmem:s21+$0x30];
	(erf) = vpow2.f32 v7  }
0x7b: {  	v4 =	vmax.f32 v4, v12;
	v7 =	vld [tilespmem:s21+$0xE0];
	v12 =	vpop (erf)  }
0x7c: {  	v12 =	vadd.f32 v12, v13;
	v14 =	vld [tilespmem:s21+$0x40];
	v13 =	vmul.f32 $1.442695020e+00, v3;
	(erf) = vpow2.f32 v15  }
0x7d: {  	v3 =	vmax.f32 v4, v3;
	v4 =	vmul.f32 $1.442695020e+00, v11;
	v15 =	vld [tilespmem:s21+$0x120];
	v16 =	vpop (erf)  }
0x7e: {  	v12 =	vadd.f32 v16, v12;
	v17 =	vld [tilespmem:s21+$0x0];
	v16 =	vmul.f32 $1.442695020e+00, v5;
	(erf) = vpow2.f32 v13  }
0x7f: {  	v3 =	vmax.f32 v3, v5;
	v19 =	vld [tilespmem:s21+$0xFFFFFFD0];
	v13 =	vmul.f32 $1.442695020e+00, v6;
	v5 =	vpop (erf)  }
0x80: {  	v5 =	vadd.f32 v5, v12;
	v12 =	vld [tilespmem:s21+$0xFFFFFFB0];
	v18 =	vmul.f32 $1.442695020e+00, v7;
	(erf) = vpow2.f32 v16  }
0x81: {  	v20 =	vmax.f32 v3, v7;
	v23 =	vld [tilespmem:s21+$0xFFFFFFC0];
	v16 =	vmul.f32 $1.442695020e+00, v14;
	v7 =	vpop (erf);
	(erf) = vpow2.f32 v4  }
0x82: {  	v4 =	vadd.f32 v7, v5;
	v21 =	vmul.f32 $1.442695020e+00, v15;
	v7 =	vld [tilespmem:s21+$0x160];
	(erf) = vpow2.f32 v18  }
0x83: {  	v15 =	vmax.f32 v20, v15;
	v24 =	vld [tilespmem:s21+$0xFFFFFF50];
	v18 =	vmul.f32 $1.442695020e+00, v17;
	v3 =	vpop (erf);
	(erf) = vpow2.f32 v16  }
0x84: {  	v25 =	vld [tilespmem:s21+$0xFFFFFF80];
	v16 =	vmul.f32 $1.442695020e+00, v19;
	v3 =	vadd.f32 v3, v4;
	(erf) = vpow2.f32 v21  }
0x85: {  	v20 =	vld [tilespmem:s21+$0xFFFFFF40];
	v21 =	vmul.f32 $1.442695020e+00, v12;
	(erf) = vpow2.f32 v18;
	v5 =	vpop (erf)  }
0x86: {  	v26 =	vld [tilespmem:s21+$0xFFFFFF30];
	v27 =	vmul.f32 $1.442695020e+00, v23;
	v3 =	vadd.f32 v5, v3;
	(erf) = vpow2.f32 v13  }
0x87: {  	v13 =	vld [tilespmem:s21+$0xFFFFFE80];
	v5 =	vmul.f32 $1.442695020e+00, v7;
	(erf) = vpow2.f32 v21;
	v4 =	vpop (erf)  }
0x88: {  	v22 =	vld [tilespmem:s21+$0xFFFFFEC0];
	v21 =	vmul.f32 $1.442695020e+00, v24;
	v29 =	vadd.f32 v4, v3;
	(erf) = vpow2.f32 v16  }
0x89: {  	v16 =	vld [tilespmem:s21+$0xFFFFFEB0];
	v31 =	vmul.f32 $1.442695020e+00, v25;
	(erf) = vpow2.f32 v27;
	v18 =	vpop (erf)  }
0x8a: {  	s22 =	sand.u32 $0x7FFFFFE0, s18;
	v27 =	vld [tilespmem:s21+$0xFFFFFE70];
	v28 =	vmul.f32 $1.442695020e+00, v20;
	v18 =	vadd.f32 v18, v29;
	(erf) = vpow2.f32 v21;
	v3 =	vpop (erf)  }
0x8b: {  	v29 =	vld [tilespmem:s22+$0x80];
	v30 =	vmul.f32 $1.442695020e+00, v26;
	(erf) = vpow2.f32 v31;
	v4 =	vpop (erf)  }
0x8c: {  	v31 =	vld [tilespmem:s21+$0xFFFFFE90];
	v18 =	vadd.f32 v4, v18;
	v4 =	vpop (erf);
	(erf) = vpow2.f32 v5  }
0x8d: {  	v21 =	vmax.f32 v15, v7;
	v32 =	vmul.f32 $1.442695020e+00, v22;
	v33 =	vld [tilespmem:s21+$0xFFFFFF00];
	(erf) = vpow2.f32 v28;
	v5 =	vpop (erf)  }
0x8e: {  	v37 =	vmul.f32 $1.442695020e+00, v16;
	v28 =	vld [tilespmem:s22+$0x100];
	v18 =	vadd.f32 v5, v18;
	(erf) = vpow2.f32 v30;
	v5 =	vpop (erf)  }
0x8f: {  	v30 =	vmul.f32 $1.442695020e+00, v27;
	v16 =	vmax.f32 v27, v16;
	v27 =	vld [tilespmem:s21+$0xFFFFFED0];
	(erf) = vpow2.f32 v32;
	v15 =	vpop (erf)  }
0x90: {  	v38 =	vmax.f32 v13, v22;
	v32 =	vmul.f32 $1.442695020e+00, v13;
	v34 =	vld [tilespmem:s22+$0x180];
	(erf) = vpow2.f32 v37;
	v22 =	vpop (erf)  }
0x91: {  	v39 =	vmax.f32 v16, v29;
	v35 =	vmul.f32 $1.442695020e+00, v31;
	v36 =	vld [tilespmem:s21+$0xFFFFFF10];
	(erf) = vpow2.f32 v30;
	v7 =	vpop (erf)  }
0x92: {  	v29 =	vmul.f32 $1.442695020e+00, v29;
	v30 =	vmax.f32 v38, v33;
	v37 =	vld [tilespmem:s22+$0x200];
	(erf) = vpow2.f32 v32;
	v13 =	vpop (erf)  }
0x93: {  	v26 =	vmax.f32 v39, v26;
	v32 =	vmul.f32 $1.442695020e+00, v33;
	v33 =	vmul.f32 $1.442695020e+00, v28;
	v38 =	vld [tilespmem:s21+$0xFFFFFF90];
	v16 =	vpop (erf)  }
0x94: {  	v30 =	vmax.f32 v30, v20;
	v26 =	vmax.f32 v26, v28;
	v39 =	vmul.f32 $1.442695020e+00, v27;
	v28 =	vld [tilespmem:s22+$0x280];
	v20 =	vpop (erf)  }
0x95: {  	v27 =	vmax.f32 v31, v27;
	v25 =	vmax.f32 v30, v25;
	v30 =	vld [tilespmem:s21+$0x10];
	(erf) = vpow2.f32 v35;
	v31 =	vpop (erf)  }
0x96: {  	v27 =	vmax.f32 v27, v36;
	v35 =	vmul.f32 $1.442695020e+00, v36;
	v36 =	vmul.f32 $1.442695020e+00, v34;
	v40 =	vld [tilespmem:s22+$0x300];
	v41 =	vpop (erf)  }
0x97: {  	v45 =	vmax.f32 v27, v24;
	v27 =	vld [tilespmem:s21+$0x50];
	v42 =	vmul.f32 $1.442695020e+00, v37;
	(erf) = vpow2.f32 v29;
	v29 =	vpop (erf)  }
0x98: {  	v23 =	vmax.f32 v25, v23;
	v44 =	vmax.f32 v45, v38;
	v38 =	vmul.f32 $1.442695020e+00, v38;
	v25 =	vld [tilespmem:s21+$0x90];
	v43 =	vpop (erf)  }
0x99: {  	v17 =	vmax.f32 v23, v17;
	v19 =	vmax.f32 v44, v19;
	v23 =	vld [tilespmem:s21+$0xD0];
	v24 =	vpop (erf);
	(erf) = vpow2.f32 v36  }
0x9a: {  	v14 =	vmax.f32 v17, v14;
	v19 =	vmax.f32 v19, v30;
	v17 =	vld [tilespmem:s21+$0xC0];
	v36 =	vpop (erf);
	(erf) = vpow2.f32 v42  }
0x9b: {  	v11 =	vmax.f32 v14, v11;
	v30 =	vmul.f32 $1.442695020e+00, v30;
	v8 =	vadd.f32 v36, v8;
	v14 =	vld [tilespmem:s21+$0x110];
	v36 =	vpop (erf)  }
0x9c: {  	v10 =	vadd.f32 v36, v10;
	v19 =	vmax.f32 v19, v27;
	v36 =	vld [tilespmem:s21+$0x150];
	(erf) = vpow2.f32 v39  }
0x9d: {  	v8 =	vadd.f32 v24, v8;
	v19 =	vmax.f32 v19, v25;
	v24 =	vld [tilespmem:s21+$0xB0];
	(erf) = vpow2.f32 v38  }
0x9e: {  	v38 =	vadd.f32 v43, v10;
	v10 =	vmax.f32 v26, v12;
	v12 =	vld [tilespmem:s21+$0x100];
	v26 =	vpop (erf);
	(erf) = vpow2.f32 v33  }
0x9f: {  	v19 =	vmax.f32 v19, v23;
	v10 =	vmax.f32 v10, v34;
	v11 =	vmax.f32 v11, v17;
	v33 =	vld [tilespmem:s21+$0x140]  }
0xa0: {  	v9 =	vadd.f32 v26, v9;
	v6 =	vmax.f32 v10, v6;
	v10 =	vmax.f32 v19, v14;
	v19 =	vld [tilespmem:s21+$0x180];
	v26 =	vpop (erf)  }
0xa1: {  	v25 =	vmul.f32 $1.442695020e+00, v25;
	v26 =	vadd.f32 v26, v8;
	v8 =	vmul.f32 $1.442695020e+00, v14  }
0xa2: {  	v6 =	vmax.f32 v6, v37;
	v14 =	vmul.f32 $1.442695020e+00, v24;
	(erf) = vpow2.f32 v32;
	v32 =	vpop (erf)  }
0xa3: {  	v34 =	vmul.f32 $1.442695020e+00, v28;
	v11 =	vmax.f32 v11, v12;
	v37 =	vld [tilespmem:s21+$0x130];
	v39 =	vpop (erf);
	(erf) = vpow2.f32 v25  }
0xa4: {  	v42 =	vmax.f32 v10, v36;
	v6 =	vmax.f32 v6, v24;
	v11 =	vmax.f32 v11, v33  }
0xa5: {  	v24 =	vmul.f32 $1.442695020e+00, v27;
	v11 =	vmax.f32 v11, v19;
	v25 =	vpop (erf);
	(erf) = vpow2.f32 v35  }
0xa6: {  	v21 =	vmax.f32 v42, v21;
	v26 =	vadd.f32 v29, v26;
	v6 =	vmax.f32 v6, v28;
	v10 =	vpop (erf)  }
0xa7: {  	v25 =	vadd.f32 v25, v9;
	v9 =	vmul.f32 $1.442695020e+00, v40;
	v27 =	vpop (erf);
	(erf) = vpow2.f32 v14  }
0xa8: {  	v17 =	vmul.f32 $1.442695020e+00, v17;
	v14 =	vadd.f32 v27, v26;
	(erf) = vpow2.f32 v34  }
0xa9: {  	v26 =	vmax.f32 v6, v37;
	v27 =	vmul.f32 $1.442695020e+00, v37;
	v6 =	vadd.f32 v31, v18  }
0xaa: {  	v18 =	vmul.f32 $1.442695020e+00, v19;
	v14 =	vadd.f32 v22, v14;
	(erf) = vpow2.f32 v17  }
0xab: {  	v19 =	vmax.f32 v26, v40;
	v17 =	vmul.f32 $1.442695020e+00, v23;
	v22 =	vpop (erf);
	(erf) = vpow2.f32 v9  }
0xac: {  	v22 =	vadd.f32 v22, v38;
	v14 =	vadd.f32 v32, v14;
	v9 =	vpop (erf);
	(erf) = vpow2.f32 v27  }
0xad: {  	v12 =	vmul.f32 $1.442695020e+00, v12;
	v11 =	vmax.f32 v19, v11;
	(erf) = vpow2.f32 v30  }
0xae: {  	v19 =	vmul.f32 $1.442695020e+00, v33;
	v26 =	vadd.f32 v15, v14;
	v15 =	vpop (erf);
	(erf) = vpow2.f32 v24  }
.Ltmp1:
0xaf: {  	v23 =	vmul.f32 $1.442695020e+00, v36;
	v22 =	vadd.f32 v41, v22;
	(erf) = vpow2.f32 v17;
	(pc) =	sbr.rel @!p2 .LBB2_5-.Ltmp1, $4  }
0xb0: {  	v15 =	vadd.f32 v15, v25;
	v17 =	vadd.f32 v39, v26;
	v24 =	vpop (erf);
	(erf) = vpow2.f32 v12  }
0xb1: {  	v12 =	vadd.f32 v20, v22;
	v20 =	vmax.f32 v11, v21;
	v14 =	vpop (erf);
	(erf) = vpow2.f32 v18  }
0xb2: {  	v16 =	vadd.f32 v16, v15;
	v15 =	vadd.f32 v24, v17;
	[tilespmem:s19+$0x0] =	vst v20;
	(erf) = vpow2.f32 v19  }
0xb3: {  	s21 =	sadd.s32 $0x320, s21;
	v2 =	vmax.f32 v2, v20;
	v12 =	vadd.f32 v13, v12;
	v11 =	vpop (erf);
	(erf) = vpow2.f32 v23  }
.LBB2_6:
0xb4: {  	v10 =	vadd.f32 v10, v16;
	_ =	sdelay $0x1  }
0xb5: {  	v13 =	vpop (erf)  }
0xb6: {  	(erf) = vpow2.f32 v8;
	v5 =	vadd.f32 v5, v12;
	v8 =	vpop (erf);
	v7 =	vadd.f32 v7, v10  }
0xb7: {  	v10 =	vpop (erf)  }
0xb8: {  	v4 =	vadd.f32 v4, v5;
	v5 =	vadd.f32 v10, v7;
	_ =	sdelay $0x1  }
0xb9: {  	v7 =	vpop (erf)  }
0xba: {  	v3 =	vadd.f32 v3, v4;
	v10 =	vpop (erf);
	v4 =	vadd.f32 v7, v5  }
0xbb: {  	v5 =	vpop (erf)  }
0xbc: {  	v3 =	vadd.f32 v11, v3;
	v4 =	vadd.f32 v9, v4;
	v7 =	vpop (erf)  }
0xbd: {  	v9 =	vadd.f32 v14, v15;
	v11 =	vpop (erf)  }
0xbe: {  	v3 =	vadd.f32 v5, v3;
	v4 =	vadd.f32 v10, v4;
	v63 =	vpop (erf)  }
0xbf: {  	v5 =	vadd.f32 v8, v9;
	v8 =	vpop (erf)  }
0xc0: {  	v3 =	vadd.f32 v11, v3;
	v4 =	vadd.f32 v8, v4  }
0xc1: {  	v10 =	vadd.f32 v13, v5  }
0xc2: {  	v9 =	vadd.f32 v7, v3;
	v8 =	vadd.f32 v63, v4  }
0xc3: {  	p2 =	sgt.u32 s17, $0xF  }
.Ltmp2:
0xc4: {  	_ = 	snop;
	(pc) =	sbr.rel @!p2 .LBB2_4-.Ltmp2, $1  }
0xc5: {  	_ =	sdelay $0x3  }
0xc6: {  	(xrf0) =	vmax.scan.msk.f32 $0xffff, v2;
	_ =	sdelay $0x2  }
0xc7: {  	s17 =	simm.s32 $0x18780  }
0xc8: {  	v4 =	vld [tilespmem:s17+$0x0];
	_ =	sdelay $0x1  }
0xc9: {  	v2, _, _ =	vpop (xrf0)  }
0xca: {  	v2 =	vbroadcast v2, $0xF  }
0xcb: {  	s18 =	simm.s32 $0x0  }
0xcc: {  	v3 =	vimm.s32 $0x7FFFFFFF;
	s17 =	simm.s32 $0x1;
	vm1 =	veq.f32 v4, v2;
	v4 =	vmov s18;
	s18 =	simm.s32 $0x18790  }
.LBB2_8:
0xcd: {  	v5 =	vld [tilespmem:s18+$0x0];
	p2 =	sne.s32 s17, $0x7C;
	v4 =	vnsel vm1, $0x7FFFFFFF, v4;
	s19 =	smov.u32 s17;
	s17 =	sadd.s32 $0x1, s17  }
.Ltmp3:
0xce: {  	vm1 =	vlt.s32 v3, v4;
	(pc) =	sbr.rel @p2 .LBB2_8-.Ltmp3, $2  }
0xcf: {  	v3 =	vsel vm1, v3, v4;
	_ =	sdelay $0x2  }
0xd0: {  	s18 =	sadd.s32 $0x10, s18;
	v4 =	vmov s19;
	vm1 =	veq.f32 v5, v2  }
0xd1: {  	v4 =	vnsel vm1, $0x7FFFFFFF, v4  }
0xd2: {  	vm1 =	vlt.s32 v3, v4  }
0xd3: {  	v3 =	vsel vm1, v3, v4  }
0xd4: {  	v3 =	vxor.u32 $0x80000000, v3  }
0xd5: {  	(xrf0) =	vmin.scan.msk.u32 $0xffff, v3;
	_ =	sdelay $0x5  }
0xd6: {  	v3, _, _ =	vpop (xrf0)  }
0xd7: {  	(v2sf) =	vpush v3, $0xF;
	_ =	sdelay $0xe  }
0xd8: {  	s17 =	spop (v2sf)  }
0xd9: {  	s17 =	sxor.u32 $0x80000000, s17  }
0xda: {  	s18 =	smul.u32 $0xC80, s17;
	_ =	sdelay $0x1  }
0xdb: {  	s18 =	sshra.s32 s18, $0x2  }
0xdc: {  	v3 =	vmov s18;
	_ =	sdelay $0x3  }
0xdd: {  	s19 =	simm.s32 $0x40;
	s18 =	simm.s32 $0x0  }
.LBB2_10:
0xde: {  	p2 =	sne.s32 s19, $0xC40;
	v4 =	vld.idx.msk [tilespmem:v3+s18+$0x0 ss:$0x1], $0xffff;
	_ =	sdelay $0x1  }
.Ltmp4:
0xdf: {  	(pc) =	sbr.rel @p2 .LBB2_10-.Ltmp4, $2  }
0xe0: {  	_ =	sdelay $0x2  }
0xe1: {  	[tilespmem:s18+$0x18F80] =	vst v4;
	s18 =	sshra.s32 s19, $0x2;
	s19 =	sadd.s32 $0x40, s19  }
0xe2: {  	_ =	sdelay $0x3  }
0xe3: {  	v3 =	vld.idx.msk [tilespmem:v3+s18+$0x0 ss:$0x1], $0xffff;
	s16 =	sor.u32 s5, s16  }
0xe4: {  	v4 =	vmov s16;
	_ =	sdelay $0x3  }
0xe5: {  	[tilespmem:s18+$0x18F80] =	vst v3  }
0xe6: {  	v3 =	vld.idx.msk [tilespmem:v4+s9+$0x0], $0xffff  }
0xe7: {  	s18 =	sadd.s32 @!p1 $0x1, s16  }
0xe8: {  	s19 =	sshrl.u32 @!p1 s18, $0x3  }
0xe9: {  	s18 =	sshll.u32 @!p1 s18, $0x7;
	s19 =	smul.u32 @!p1 $0xC3800, s19  }
0xea: {  	s18 =	sand.u32 @!p1 $0x380, s18  }
0xeb: {  	s18 =	sor.u32 @!p1 s18, s19  }
0xec: {  	s20 =	simm.s32 @!p1 $0x400;
	s21 =	simm.s32 @!p1 $0x0;
	s18 =	sshrl.u32 @!p1 s18, $0x3  }
0xed: {  	s31 =	simm.s32 $0x0;
	s19 =	simm.s32 @!p1 $0x80;
	s18 =	sadd.s32 @!p1 s2, s18  }
0xee: {  	v3 =	vld.idx.msk [tilespmem:v3+s4+$0x0], $0xffff;
	[tilespmem:s21], [sflag:$0x1] =	stream.strided.gather @!p1 [hbm4b:s18+s19], $0x18700, s20, s19, $0x38  }
0xef: {  	v5 =	vld [tilespmem:s31+$0x18F80];
	_ =	sdelay $0x2  }
0xf0: {  	s17 =	smul.u32 $0x320, s17  }
0xf1: {  	v4 =	vimm.s32 $0x7FFFFFFF;
	s18 =	simm.s32 $0x40  }
.LBB2_12:
0xf2: {  	s19 =	sshra.s32 s18, $0x2;
	p1 =	sne.s32 s18, $0xC40;
	s18 =	sadd.s32 $0x40, s18;
	vm1 =	veq.f32 v5, v2;
	v7 =	vor.u32 s17, v0  }
.Ltmp5:
0xf3: {  	v5 =	vld [tilespmem:s19+$0x18F80];
	v7 =	vnsel vm1, $0x7FFFFFFF, v7;
	(pc) =	sbr.rel @p1 .LBB2_12-.Ltmp5, $3  }
0xf4: {  	vm1 =	vlt.s32 v4, v7  }
0xf5: {  	v4 =	vsel vm1, v4, v7;
	_ =	sdelay $0x1  }
0xf6: {  	s17 =	sadd.s32 $0x10, s17  }
0xf7: {  	v7 =	vadd.f32 v9, v10;
	v6 =	vadd.f32 v6, v8;
	_ =	sdelay $0x1  }
0xf8: {  	v6 =	vadd.f32 v6, v7;
	_ =	sdelay $0x1  }
0xf9: {  	(xrf2) =	vadd.scan.msk.f32 $0xffff, v6;
	_ =	sdelay $0x9  }
0xfa: {  	v6, _, _ =	vpop (xrf2)  }
0xfb: {  	v6 =	vbroadcast v6, $0xF;
	_ =	sdelay $0x1  }
0xfc: {  	v54 =	vand.u32 $0x7FFFFF, v6  }
0xfd: {  	v7 =	vor.u32 $0x3F800000, v54  }
0xfe: {  	v55 =	vmul.f32 $5.000000000e-01, v7  }
0xff: {  	vm1 =	vgt.f32 v7, $1.414213540e+00  }
0x100: {  	v7 =	vsel vm1, v55, v7  }
0x101: {  	v8 =	vadd.f32 $1.000000000e+00, v7;
	_ =	sdelay $0x1  }
0x102: {  	(erf) = vrcp.f32 v8;
	_ =	sdelay $0x6  }
0x103: {  	vm2 =	veq.f32 v5, v2;
	v2 =	vor.u32 s17, v0  }
0x104: {  	v2 =	vnsel vm2, $0x7FFFFFFF, v2;
	v56 =	vadd.f32 $-1.000000000e+00, v7  }
0x105: {  	vm2 =	vlt.s32 v4, v2;
	v57 =	vpop (erf)  }
0x106: {  	v2 =	vsel vm2, v4, v2;
	v58 =	vmul.f32 v57, v56  }
0x107: {  	v2 =	vxor.u32 $0x80000000, v2  }
0x108: {  	(xrf0) =	vmin.scan.msk.u32 $0xffff, v2;
	v2 =	vmul.f32 v58, v58;
	_ =	sdelay $0x1  }
0x109: {  	v59 =	vmul.f32 $1.111111120e-01, v2;
	_ =	sdelay $0x1  }
0x10a: {  	v5 =	vadd.f32 $1.428571490e-01, v59;
	_ =	sdelay $0x1  }
0x10b: {  	v60, _, _ =	vpop (xrf0);
	v5 =	vmul.f32 v5, v2  }
0x10c: {  	(v2sf) =	vpush v60, $0xF  }
0x10d: {  	v5 =	vadd.f32 $2.000000030e-01, v5;
	_ =	sdelay $0x1  }
0x10e: {  	v5 =	vmul.f32 v5, v2;
	_ =	sdelay $0x1  }
0x10f: {  	v5 =	vadd.f32 $3.333333430e-01, v5  }
0x110: {  	v6 =	vshra.s32 v6, $0x17;
	v61 =	vsel vm1, $0x1, v1  }
0x111: {  	v6 =	vadd.s32 v61, v6;
	v2 =	vmul.f32 v5, v2  }
0x112: {  	v62 =	vadd.s32 $0xFFFFFF81, v6  }
0x113: {  	v4 =	vadd.f32 v58, v58;
	v5 =	vcvt.s32.f32 v62;
	v2 =	vadd.f32 $1.000000000e+00, v2;
	_ =	sdelay $0x1  }
0x114: {  	v63 =	vmul.f32 $6.931471820e-01, v5;
	v2 =	vmul.f32 v2, v4;
	_ =	sdelay $0x1  }
0x115: {  	v2 =	vadd.f32 v2, v63;
	_ =	sdelay $0x1  }
0x116: {  	s31 =	spop (v2sf);
	v2 =	vsub.f32 v3, v2  }
0x117: {  	s16 =	sshll.u32 s16, $0x4;
	s17 =	sxor.u32 $0x80000000, s31  }
0x118: {  	s16 =	sand.u32 $0x70, s16;
	v2 =	vsel vm0, s17, v2  }
.Ltmp6:
0x119: {  	s16 =	sadd.s32 s16, s7;
	[tilespmem:$0x19300] =	vst v2;
	(pc) =	sbr.rel @p0 .LBB2_2-.Ltmp6, $4  }
0x11a: {  	[hbm4b:s16+s4] =	stream.linear.scatter [tilespmem:s13], [sflag:$0x3], $0x80, $0x38;
	[tilespmem:$0x19380] =	vst v63  }
0x11b: {  	_ =	swait.ge [sflag:s14], $0x80  }
0x11c: {  	p2 =	por $0x0, $0x0;
	[sflag:s14] =	ssyncset.done $0x0  }
0x11d: {  	p1 =	por $0x1, $0x1;
	s16 =	simm.s32 $0x1;
	[sflag:s14] =	ssyncadd.s32 $0xFFFFFF80  }
0x11e: {  	s15 =	sadd.s32 $0x1, s15  }
0x11f: {  	p0 =	sne.s32 s15, s8  }
.Ltmp7:
0x120: {  	_ = 	snop;
	(pc) =	sbr.rel @p0 .LBB2_1-.Ltmp7, $1  }
0x121: {  	_ =	sdelay $0x3  }
0x122: {  	_ =	sfence.sel $0x180000  }
0x123: {  	[bflag:$0x0] =	sbarrier.arrive $0xFFFF  }
0x124: {  	p0 =	sne.s32 s1, $0x0;
	_ =	strace $0x90000047  }
0x125: {  	s0 =	sadd.s32 @!p0 $0x100000, s0;
	[bflag:$0x2] =	sbarrier.arrive $0xFFFF  }
0x126: {  	[sflag:s0] =	ssyncadd.tile.s32 @!p0 $0x1;
	_ =	shalt  }
.Lfunc_end2:
_tile_overlayer_lowered:
.L_overlay_start_2:
0x127: {  	(tag) =	ssettag $0x2  }
0x128: {  	s0 =	rddreg [dreg:$0x0];
	s2 =	stileid.u32  }
0x129: {  	s1 =	rddreg [dreg:$0x1];
	p0 =	sne.s32 s2, $0x0  }
0x12a: {  	s3 =	rddreg [dreg:$0x2];
	[bflag:$0x3] =	sbarrier.arrive $0xFFFF;
	s2 =	simm.s32 @!p0 $0x1C03  }
0x12b: {  	[timem:s3], [sflag:s2] =	dma.local @!p0 [hbm:s0], s1  }
0x12c: {  	s0 =	simm.s32 @!p0 $0x3  }
0x12d: {  	_ =	swait.ge @!p0 [sflag:s0], s1  }
0x12e: {  	s1 =	ssub.s32 @!p0 $0x0, s1;
	[sflag:s0] =	ssyncset.done @!p0 $0x0  }
0x12f: {  	[sflag:s0] =	ssyncadd.s32 @!p0 s1  }
0x130: {  	[bflag:$0x3] =	sbarrier.arrive $0xFFFF  }
0x131: {  	_ =	shalt  }

</sc_bundles>
